<compile_context>
chip_gen: v7x
topology: tpu7x:2x2x1
jax: 0.10.2.dev20260603
libtpu: 0.0.44.dev20260713+nightly
codegen_flags: <defaults>
</compile_context>

<pallas_src>
import jax
import jax.numpy as jnp
from jax import lax
from jax.experimental import pallas as pl
from jax.experimental.pallas import tpu as pltpu
from jax.experimental.pallas import tpu_sc as plsc

N_NODES = 1000000
EMBED_DIM = 64
BATCH = 16384

NUM_CORES = 2
NUM_SUBCORES = 16
LANES = 16
NUM_WORKERS = NUM_CORES * NUM_SUBCORES

ROWS_PER_WORKER = BATCH // NUM_WORKERS
BLK = 128
GROUP = 8
NUM_GROUPS = ROWS_PER_WORKER // GROUP


def _rsqrt_nr(s):
    i = plsc.bitcast(s, jnp.int32)
    i = jnp.int32(0x5F3759DF) - lax.shift_right_arithmetic(i, jnp.int32(1))
    y = plsc.bitcast(i, jnp.float32)
    for _ in range(3):
        y = y * (1.5 - 0.5 * s * y * y)
    return y


def _sc_body(nodes_hbm, tablet_hbm, outt_hbm, idx_v, blk_v, buft_v, tmp_v,
             *sems):
    wid = lax.axis_index("s") * NUM_CORES + lax.axis_index("c")
    base = wid * ROWS_PER_WORKER

    pltpu.sync_copy(nodes_hbm.at[pl.ds(base, ROWS_PER_WORKER)],
                    idx_v.at[pl.ds(0, ROWS_PER_WORKER)])
    idx_v[pl.ds(ROWS_PER_WORKER, LANES)] = jnp.zeros((LANES,), jnp.int32)

    def fire_group(g):
        v = idx_v[pl.ds(g * GROUP, LANES)]
        for t in range(GROUP):
            cw = lax.shift_right_logical(v[t], jnp.int32(7)) * jnp.int32(BLK)
            pltpu.async_copy(
                tablet_hbm.at[:, pl.ds(cw, BLK)],
                blk_v.at[t],
                sems[0])

    fire_group(0)

    lanes = lax.iota(jnp.int32, LANES)
    halves = lax.shift_right_logical(lanes, jnp.int32(1))
    parity = lax.bitwise_and(lanes, jnp.int32(1))

    def wave(g, carry):
        for _ in range(2):
            pltpu.make_async_copy(
                tablet_hbm.at[:, pl.ds(0, ROWS_PER_WORKER)], buft_v,
                sems[0]).wait()

        ids = plsc.load_gather(idx_v, [g * GROUP + halves])
        q = lax.bitwise_and(ids, jnp.int32(BLK - 1))

        acc = jnp.zeros((LANES,), jnp.float32)
        xs = []
        for k in range(EMBED_DIM // 2):
            jv = jnp.full((LANES,), 2 * k, jnp.int32) + parity
            x = plsc.load_gather(blk_v, [halves, jv, q])
            xs.append((jv, x))
            acc = acc + x * x

        @pl.when(g < NUM_GROUPS - 1)
        def _():
            fire_group(g + 1)

        tmp_v[...] = acc
        acc = acc + plsc.load_gather(tmp_v, [lax.bitwise_xor(lanes,
                                                             jnp.int32(1))])
        r = _rsqrt_nr(jnp.maximum(acc, jnp.float32(1e-24)))

        cols = g * GROUP + halves
        for jv, x in xs:
            plsc.store_scatter(buft_v, [jv, cols], x * r)

        return carry

    lax.fori_loop(0, NUM_GROUPS, wave, 0)

    pltpu.sync_copy(buft_v, outt_hbm.at[:, pl.ds(base, ROWS_PER_WORKER)])


@jax.jit
def _pale_embedding_sc(nodes, table):
    mesh = plsc.VectorSubcoreMesh(core_axis_name="c", subcore_axis_name="s")
    outt = pl.kernel(
        _sc_body,
        out_type=jax.ShapeDtypeStruct((EMBED_DIM, BATCH), jnp.float32),
        mesh=mesh,
        scratch_types=[
            pltpu.VMEM((ROWS_PER_WORKER + LANES,), jnp.int32),
            pltpu.VMEM((GROUP, EMBED_DIM, BLK), jnp.float32),
            pltpu.VMEM((EMBED_DIM, ROWS_PER_WORKER), jnp.float32),
            pltpu.VMEM((LANES,), jnp.float32),
        ] + [pltpu.SemaphoreType.DMA],
        compiler_params=pltpu.CompilerParams(needs_layout_passes=False),
    )(nodes, table.T)
    return outt.T


def kernel(nodes, table):
    return _pale_embedding_sc(nodes, table)

# --- scband reference (transcript-rebuilt; emitter-appended) ---
"""Pipeline reference for scband-pale-embedding-4741643895760 (READ-ONLY COPY).

The authoritative reference and input builder live on the scoring server;
editing this copy changes nothing except your own understanding.
"""

import jax, jax.numpy as jnp
import numpy as np

N_NODES = 1000000
EMBED_DIM = 64
BATCH = 16384


def setup_inputs(seed: int = 0) -> dict:
    key = jax.random.key(seed)
    k1, k2 = jax.random.split(key)
    nodes = jax.random.randint(k1, (BATCH,), 0, N_NODES, dtype=jnp.int32)
    # nn.Embedding default init: N(0, 1)
    table = jax.random.normal(k2, (N_NODES, EMBED_DIM), dtype=jnp.float32)
    return {"nodes": nodes, "table": table}


def reference(nodes, table):
    # node_output = self.node_embedding(nodes)
    node_output = jnp.take(table, nodes, axis=0)
    # F.normalize(node_output, dim=1): x / max(||x||_2, eps), eps=1e-12
    norm = jnp.linalg.norm(node_output, axis=1, keepdims=True)
    node_output = node_output / jnp.maximum(norm, 1e-12)
    return node_output

if __name__ == "__main__":
    import jax
    _d = setup_inputs()
    print(jax.jit(kernel)(*tuple(_d.values())))

</pallas_src>

<mosaic_0001>
#map = affine_map<(d0, d1) -> (0)>
#map1 = affine_map<(d0, d1) -> (0, 0)>
module attributes {stable_mosaic.version = 14 : i64} {
  func.func @_sc_body(%arg0: i32, %arg1: i32, %arg2: memref<16384xi32, #tpu.memory_space<hbm>>, %arg3: memref<64x1000000xf32, #tpu.memory_space<hbm>>, %arg4: memref<64x16384xf32, #tpu.memory_space<hbm>>, %arg5: memref<528xi32, #tpu.memory_space<vmem>>, %arg6: memref<8x64x128xf32, #tpu.memory_space<vmem>>, %arg7: memref<64x512xf32, #tpu.memory_space<vmem>>, %arg8: memref<16xf32, #tpu.memory_space<vmem>>, %arg9: memref<!tpu.dma_semaphore, #tpu.memory_space<semaphore_mem>>) attributes {dimension_semantics = [#tpu.dimension_semantics<core_parallel>, #tpu.dimension_semantics<subcore_parallel>], iteration_bounds = array<i64: 2, 16>, scalar_prefetch = 0 : i64, scratch_operands = 5 : i64, tpu.core_type = #tpu.core_type<sc_vector_subcore>, window_params = [{transform_indices = #map}, {transform_indices = #map1}, {transform_indices = #map1}]} {
    %mul3A = arith.constant 2 : i32
    %mul3A_0 = arith.muli %arg1, %mul3A : i32
    %add3A = arith.addi %mul3A_0, %arg0 : i32
    %mul3A_1 = arith.constant 512 : i32
    %mul3A_2 = arith.muli %add3A, %mul3A_1 : i32
    "tpu.region"() ({
      %run_scoped3A = tpu.sem_alloc : memref<!tpu.dma_semaphore, #tpu.memory_space<semaphore_mem>>
      %dma_start3A_164 = arith.constant 0 : i32
      %dma_start3A_165 = tpu.memref_slice %arg5[%dma_start3A_164] : memref<528xi32, #tpu.memory_space<vmem>> -> memref<512xi32, #tpu.memory_space<vmem>>
      %dma_start3A_166 = tpu.memref_slice %arg2[%mul3A_2] : memref<16384xi32, #tpu.memory_space<hbm>> -> memref<512xi32, #tpu.memory_space<hbm>>
      %dma_start3A_167 = arith.constant 0 : i32
      %dma_start3A_168 = tpu.memref_slice %arg5[%dma_start3A_167] : memref<528xi32, #tpu.memory_space<vmem>> -> memref<512xi32, #tpu.memory_space<vmem>>
      %dma_start3A_169 = tpu.memref_slice %arg2[%mul3A_2] : memref<16384xi32, #tpu.memory_space<hbm>> -> memref<512xi32, #tpu.memory_space<hbm>>
      tpu.enqueue_dma source(%dma_start3A_169 : memref<512xi32, #tpu.memory_space<hbm>>) target(%dma_start3A_168 : memref<512xi32, #tpu.memory_space<vmem>>) target_semaphore(%run_scoped3A : memref<!tpu.dma_semaphore, #tpu.memory_space<semaphore_mem>>)
      %dma_wait3A = arith.constant 0 : i32
      %dma_wait3A_170 = tpu.memref_slice %arg5[%dma_wait3A] : memref<528xi32, #tpu.memory_space<vmem>> -> memref<512xi32, #tpu.memory_space<vmem>>
      %dma_wait3A_171 = tpu.memref_slice %arg2[%mul3A_2] : memref<16384xi32, #tpu.memory_space<hbm>> -> memref<512xi32, #tpu.memory_space<hbm>>
      %dma_wait3A_172 = arith.constant 0 : i32
      %dma_wait3A_173 = tpu.memref_slice %arg5[%dma_wait3A_172] : memref<528xi32, #tpu.memory_space<vmem>> -> memref<512xi32, #tpu.memory_space<vmem>>
      %dma_wait3A_174 = tpu.memref_slice %arg2[%mul3A_2] : memref<16384xi32, #tpu.memory_space<hbm>> -> memref<512xi32, #tpu.memory_space<hbm>>
      tpu.wait_dma2 semaphore(%run_scoped3A : memref<!tpu.dma_semaphore, #tpu.memory_space<semaphore_mem>>) src(%dma_wait3A_174 : memref<512xi32, #tpu.memory_space<hbm>>) dst(%dma_wait3A_173 : memref<512xi32, #tpu.memory_space<vmem>>)
      tpu.yield
    }) : () -> ()
    %broadcast_in_dim3A = arith.constant 0 : i32
    %broadcast_in_dim3A_3 = vector.broadcast %broadcast_in_dim3A : i32 to vector<16xi32>
    %swap3A = arith.constant 512 : index
    %swap3A_4 = tpu.vector_load %arg5[%swap3A] {strides = array<i32>} : memref<528xi32, #tpu.memory_space<vmem>>, vector<16xi32>,
    tpu.vector_store %arg5[%swap3A], %broadcast_in_dim3A_3 {strides = array<i32>} : memref<528xi32, #tpu.memory_space<vmem>>, vector<16xi32>,
    %get3A = arith.constant 0 : index
    %get3A_5 = tpu.vector_load %arg5[%get3A] {strides = array<i32>} : memref<528xi32, #tpu.memory_space<vmem>>, vector<16xi32>,
    %slice3A = vector.extract_strided_slice %get3A_5 {offsets = [0], sizes = [1], strides = [1]} : vector<16xi32> to vector<1xi32>
    %squeeze3A = vector.extract %slice3A[0] : i32 from vector<1xi32>
    %shift_right_logical3A = arith.constant 7 : i32
    %shift_right_logical3A_6 = arith.shrui %squeeze3A, %shift_right_logical3A : i32
    %mul3A_7 = arith.constant 128 : i32
    %mul3A_8 = arith.muli %shift_right_logical3A_6, %mul3A_7 : i32
    %dma_start3A = arith.constant 0 : i32
    %dma_start3A_9 = arith.constant 0 : i32
    %dma_start3A_10 = arith.constant 0 : i32
    %dma_start3A_11 = tpu.memref_slice %arg6[%dma_start3A, %dma_start3A_9, %dma_start3A_10] : memref<8x64x128xf32, #tpu.memory_space<vmem>> -> memref<1x64x128xf32, #tpu.memory_space<vmem>>
    %dma_start3A_12 = tpu.memref_squeeze %dma_start3A_11 : memref<1x64x128xf32, #tpu.memory_space<vmem>> -> memref<64x128xf32, #tpu.memory_space<vmem>>
    %dma_start3A_13 = arith.constant 0 : i32
    %dma_start3A_14 = tpu.memref_slice %arg3[%dma_start3A_13, %mul3A_8] : memref<64x1000000xf32, #tpu.memory_space<hbm>> -> memref<64x128xf32, #tpu.memory_space<hbm>>
    %dma_start3A_15 = arith.constant 0 : i32
    %dma_start3A_16 = arith.constant 0 : i32
    %dma_start3A_17 = tpu.memref_slice %arg6[%dma_start3A, %dma_start3A_15, %dma_start3A_16] : memref<8x64x128xf32, #tpu.memory_space<vmem>> -> memref<1x64x128xf32, #tpu.memory_space<vmem>>
    %dma_start3A_18 = tpu.memref_squeeze %dma_start3A_17 : memref<1x64x128xf32, #tpu.memory_space<vmem>> -> memref<64x128xf32, #tpu.memory_space<vmem>>
    %dma_start3A_19 = arith.constant 0 : i32
    %dma_start3A_20 = tpu.memref_slice %arg3[%dma_start3A_19, %mul3A_8] : memref<64x1000000xf32, #tpu.memory_space<hbm>> -> memref<64x128xf32, #tpu.memory_space<hbm>>
    tpu.enqueue_dma source(%dma_start3A_20 : memref<64x128xf32, #tpu.memory_space<hbm>>) target(%dma_start3A_18 : memref<64x128xf32, #tpu.memory_space<vmem>>) target_semaphore(%arg9 : memref<!tpu.dma_semaphore, #tpu.memory_space<semaphore_mem>>)
    %slice3A_21 = vector.extract_strided_slice %get3A_5 {offsets = [1], sizes = [1], strides = [1]} : vector<16xi32> to vector<1xi32>
    %squeeze3A_22 = vector.extract %slice3A_21[0] : i32 from vector<1xi32>
    %shift_right_logical3A_23 = arith.constant 7 : i32
    %shift_right_logical3A_24 = arith.shrui %squeeze3A_22, %shift_right_logical3A_23 : i32
    %mul3A_25 = arith.constant 128 : i32
    %mul3A_26 = arith.muli %shift_right_logical3A_24, %mul3A_25 : i32
    %dma_start3A_27 = arith.constant 1 : i32
    %dma_start3A_28 = arith.constant 0 : i32
    %dma_start3A_29 = arith.constant 0 : i32
    %dma_start3A_30 = tpu.memref_slice %arg6[%dma_start3A_27, %dma_start3A_28, %dma_start3A_29] : memref<8x64x128xf32, #tpu.memory_space<vmem>> -> memref<1x64x128xf32, #tpu.memory_space<vmem>>
    %dma_start3A_31 = tpu.memref_squeeze %dma_start3A_30 : memref<1x64x128xf32, #tpu.memory_space<vmem>> -> memref<64x128xf32, #tpu.memory_space<vmem>>
    %dma_start3A_32 = arith.constant 0 : i32
    %dma_start3A_33 = tpu.memref_slice %arg3[%dma_start3A_32, %mul3A_26] : memref<64x1000000xf32, #tpu.memory_space<hbm>> -> memref<64x128xf32, #tpu.memory_space<hbm>>
    %dma_start3A_34 = arith.constant 0 : i32
    %dma_start3A_35 = arith.constant 0 : i32
    %dma_start3A_36 = tpu.memref_slice %arg6[%dma_start3A_27, %dma_start3A_34, %dma_start3A_35] : memref<8x64x128xf32, #tpu.memory_space<vmem>> -> memref<1x64x128xf32, #tpu.memory_space<vmem>>
    %dma_start3A_37 = tpu.memref_squeeze %dma_start3A_36 : memref<1x64x128xf32, #tpu.memory_space<vmem>> -> memref<64x128xf32, #tpu.memory_space<vmem>>
    %dma_start3A_38 = arith.constant 0 : i32
    %dma_start3A_39 = tpu.memref_slice %arg3[%dma_start3A_38, %mul3A_26] : memref<64x1000000xf32, #tpu.memory_space<hbm>> -> memref<64x128xf32, #tpu.memory_space<hbm>>
    tpu.enqueue_dma source(%dma_start3A_39 : memref<64x128xf32, #tpu.memory_space<hbm>>) target(%dma_start3A_37 : memref<64x128xf32, #tpu.memory_space<vmem>>) target_semaphore(%arg9 : memref<!tpu.dma_semaphore, #tpu.memory_space<semaphore_mem>>)
    %slice3A_40 = vector.extract_strided_slice %get3A_5 {offsets = [2], sizes = [1], strides = [1]} : vector<16xi32> to vector<1xi32>
    %squeeze3A_41 = vector.extract %slice3A_40[0] : i32 from vector<1xi32>
    %shift_right_logical3A_42 = arith.constant 7 : i32
    %shift_right_logical3A_43 = arith.shrui %squeeze3A_41, %shift_right_logical3A_42 : i32
    %mul3A_44 = arith.constant 128 : i32
    %mul3A_45 = arith.muli %shift_right_logical3A_43, %mul3A_44 : i32
    %dma_start3A_46 = arith.constant 2 : i32
    %dma_start3A_47 = arith.constant 0 : i32
    %dma_start3A_48 = arith.constant 0 : i32
    %dma_start3A_49 = tpu.memref_slice %arg6[%dma_start3A_46, %dma_start3A_47, %dma_start3A_48] : memref<8x64x128xf32, #tpu.memory_space<vmem>> -> memref<1x64x128xf32, #tpu.memory_space<vmem>>
    %dma_start3A_50 = tpu.memref_squeeze %dma_start3A_49 : memref<1x64x128xf32, #tpu.memory_space<vmem>> -> memref<64x128xf32, #tpu.memory_space<vmem>>
    %dma_start3A_51 = arith.constant 0 : i32
    %dma_start3A_52 = tpu.memref_slice %arg3[%dma_start3A_51, %mul3A_45] : memref<64x1000000xf32, #tpu.memory_space<hbm>> -> memref<64x128xf32, #tpu.memory_space<hbm>>
    %dma_start3A_53 = arith.constant 0 : i32
    %dma_start3A_54 = arith.constant 0 : i32
    %dma_start3A_55 = tpu.memref_slice %arg6[%dma_start3A_46, %dma_start3A_53, %dma_start3A_54] : memref<8x64x128xf32, #tpu.memory_space<vmem>> -> memref<1x64x128xf32, #tpu.memory_space<vmem>>
    %dma_start3A_56 = tpu.memref_squeeze %dma_start3A_55 : memref<1x64x128xf32, #tpu.memory_space<vmem>> -> memref<64x128xf32, #tpu.memory_space<vmem>>
    %dma_start3A_57 = arith.constant 0 : i32
    %dma_start3A_58 = tpu.memref_slice %arg3[%dma_start3A_57, %mul3A_45] : memref<64x1000000xf32, #tpu.memory_space<hbm>> -> memref<64x128xf32, #tpu.memory_space<hbm>>
    tpu.enqueue_dma source(%dma_start3A_58 : memref<64x128xf32, #tpu.memory_space<hbm>>) target(%dma_start3A_56 : memref<64x128xf32, #tpu.memory_space<vmem>>) target_semaphore(%arg9 : memref<!tpu.dma_semaphore, #tpu.memory_space<semaphore_mem>>)
    %slice3A_59 = vector.extract_strided_slice %get3A_5 {offsets = [3], sizes = [1], strides = [1]} : vector<16xi32> to vector<1xi32>
    %squeeze3A_60 = vector.extract %slice3A_59[0] : i32 from vector<1xi32>
    %shift_right_logical3A_61 = arith.constant 7 : i32
    %shift_right_logical3A_62 = arith.shrui %squeeze3A_60, %shift_right_logical3A_61 : i32
    %mul3A_63 = arith.constant 128 : i32
    %mul3A_64 = arith.muli %shift_right_logical3A_62, %mul3A_63 : i32
    %dma_start3A_65 = arith.constant 3 : i32
    %dma_start3A_66 = arith.constant 0 : i32
    %dma_start3A_67 = arith.constant 0 : i32
    %dma_start3A_68 = tpu.memref_slice %arg6[%dma_start3A_65, %dma_start3A_66, %dma_start3A_67] : memref<8x64x128xf32, #tpu.memory_space<vmem>> -> memref<1x64x128xf32, #tpu.memory_space<vmem>>
    %dma_start3A_69 = tpu.memref_squeeze %dma_start3A_68 : memref<1x64x128xf32, #tpu.memory_space<vmem>> -> memref<64x128xf32, #tpu.memory_space<vmem>>
    %dma_start3A_70 = arith.constant 0 : i32
    %dma_start3A_71 = tpu.memref_slice %arg3[%dma_start3A_70, %mul3A_64] : memref<64x1000000xf32, #tpu.memory_space<hbm>> -> memref<64x128xf32, #tpu.memory_space<hbm>>
    %dma_start3A_72 = arith.constant 0 : i32
    %dma_start3A_73 = arith.constant 0 : i32
    %dma_start3A_74 = tpu.memref_slice %arg6[%dma_start3A_65, %dma_start3A_72, %dma_start3A_73] : memref<8x64x128xf32, #tpu.memory_space<vmem>> -> memref<1x64x128xf32, #tpu.memory_space<vmem>>
    %dma_start3A_75 = tpu.memref_squeeze %dma_start3A_74 : memref<1x64x128xf32, #tpu.memory_space<vmem>> -> memref<64x128xf32, #tpu.memory_space<vmem>>
    %dma_start3A_76 = arith.constant 0 : i32
    %dma_start3A_77 = tpu.memref_slice %arg3[%dma_start3A_76, %mul3A_64] : memref<64x1000000xf32, #tpu.memory_space<hbm>> -> memref<64x128xf32, #tpu.memory_space<hbm>>
    tpu.enqueue_dma source(%dma_start3A_77 : memref<64x128xf32, #tpu.memory_space<hbm>>) target(%dma_start3A_75 : memref<64x128xf32, #tpu.memory_space<vmem>>) target_semaphore(%arg9 : memref<!tpu.dma_semaphore, #tpu.memory_space<semaphore_mem>>)
    %slice3A_78 = vector.extract_strided_slice %get3A_5 {offsets = [4], sizes = [1], strides = [1]} : vector<16xi32> to vector<1xi32>
    %squeeze3A_79 = vector.extract %slice3A_78[0] : i32 from vector<1xi32>
    %shift_right_logical3A_80 = arith.constant 7 : i32
    %shift_right_logical3A_81 = arith.shrui %squeeze3A_79, %shift_right_logical3A_80 : i32
    %mul3A_82 = arith.constant 128 : i32
    %mul3A_83 = arith.muli %shift_right_logical3A_81, %mul3A_82 : i32
    %dma_start3A_84 = arith.constant 4 : i32
    %dma_start3A_85 = arith.constant 0 : i32
    %dma_start3A_86 = arith.constant 0 : i32
    %dma_start3A_87 = tpu.memref_slice %arg6[%dma_start3A_84, %dma_start3A_85, %dma_start3A_86] : memref<8x64x128xf32, #tpu.memory_space<vmem>> -> memref<1x64x128xf32, #tpu.memory_space<vmem>>
    %dma_start3A_88 = tpu.memref_squeeze %dma_start3A_87 : memref<1x64x128xf32, #tpu.memory_space<vmem>> -> memref<64x128xf32, #tpu.memory_space<vmem>>
    %dma_start3A_89 = arith.constant 0 : i32
    %dma_start3A_90 = tpu.memref_slice %arg3[%dma_start3A_89, %mul3A_83] : memref<64x1000000xf32, #tpu.memory_space<hbm>> -> memref<64x128xf32, #tpu.memory_space<hbm>>
    %dma_start3A_91 = arith.constant 0 : i32
    %dma_start3A_92 = arith.constant 0 : i32
    %dma_start3A_93 = tpu.memref_slice %arg6[%dma_start3A_84, %dma_start3A_91, %dma_start3A_92] : memref<8x64x128xf32, #tpu.memory_space<vmem>> -> memref<1x64x128xf32, #tpu.memory_space<vmem>>
    %dma_start3A_94 = tpu.memref_squeeze %dma_start3A_93 : memref<1x64x128xf32, #tpu.memory_space<vmem>> -> memref<64x128xf32, #tpu.memory_space<vmem>>
    %dma_start3A_95 = arith.constant 0 : i32
    %dma_start3A_96 = tpu.memref_slice %arg3[%dma_start3A_95, %mul3A_83] : memref<64x1000000xf32, #tpu.memory_space<hbm>> -> memref<64x128xf32, #tpu.memory_space<hbm>>
    tpu.enqueue_dma source(%dma_start3A_96 : memref<64x128xf32, #tpu.memory_space<hbm>>) target(%dma_start3A_94 : memref<64x128xf32, #tpu.memory_space<vmem>>) target_semaphore(%arg9 : memref<!tpu.dma_semaphore, #tpu.memory_space<semaphore_mem>>)
    %slice3A_97 = vector.extract_strided_slice %get3A_5 {offsets = [5], sizes = [1], strides = [1]} : vector<16xi32> to vector<1xi32>
    %squeeze3A_98 = vector.extract %slice3A_97[0] : i32 from vector<1xi32>
    %shift_right_logical3A_99 = arith.constant 7 : i32
    %shift_right_logical3A_100 = arith.shrui %squeeze3A_98, %shift_right_logical3A_99 : i32
    %mul3A_101 = arith.constant 128 : i32
    %mul3A_102 = arith.muli %shift_right_logical3A_100, %mul3A_101 : i32
    %dma_start3A_103 = arith.constant 5 : i32
    %dma_start3A_104 = arith.constant 0 : i32
    %dma_start3A_105 = arith.constant 0 : i32
    %dma_start3A_106 = tpu.memref_slice %arg6[%dma_start3A_103, %dma_start3A_104, %dma_start3A_105] : memref<8x64x128xf32, #tpu.memory_space<vmem>> -> memref<1x64x128xf32, #tpu.memory_space<vmem>>
    %dma_start3A_107 = tpu.memref_squeeze %dma_start3A_106 : memref<1x64x128xf32, #tpu.memory_space<vmem>> -> memref<64x128xf32, #tpu.memory_space<vmem>>
    %dma_start3A_108 = arith.constant 0 : i32
    %dma_start3A_109 = tpu.memref_slice %arg3[%dma_start3A_108, %mul3A_102] : memref<64x1000000xf32, #tpu.memory_space<hbm>> -> memref<64x128xf32, #tpu.memory_space<hbm>>
    %dma_start3A_110 = arith.constant 0 : i32
    %dma_start3A_111 = arith.constant 0 : i32
    %dma_start3A_112 = tpu.memref_slice %arg6[%dma_start3A_103, %dma_start3A_110, %dma_start3A_111] : memref<8x64x128xf32, #tpu.memory_space<vmem>> -> memref<1x64x128xf32, #tpu.memory_space<vmem>>
    %dma_start3A_113 = tpu.memref_squeeze %dma_start3A_112 : memref<1x64x128xf32, #tpu.memory_space<vmem>> -> memref<64x128xf32, #tpu.memory_space<vmem>>
    %dma_start3A_114 = arith.constant 0 : i32
    %dma_start3A_115 = tpu.memref_slice %arg3[%dma_start3A_114, %mul3A_102] : memref<64x1000000xf32, #tpu.memory_space<hbm>> -> memref<64x128xf32, #tpu.memory_space<hbm>>
    tpu.enqueue_dma source(%dma_start3A_115 : memref<64x128xf32, #tpu.memory_space<hbm>>) target(%dma_start3A_113 : memref<64x128xf32, #tpu.memory_space<vmem>>) target_semaphore(%arg9 : memref<!tpu.dma_semaphore, #tpu.memory_space<semaphore_mem>>)
    %slice3A_116 = vector.extract_strided_slice %get3A_5 {offsets = [6], sizes = [1], strides = [1]} : vector<16xi32> to vector<1xi32>
    %squeeze3A_117 = vector.extract %slice3A_116[0] : i32 from vector<1xi32>
    %shift_right_logical3A_118 = arith.constant 7 : i32
    %shift_right_logical3A_119 = arith.shrui %squeeze3A_117, %shift_right_logical3A_118 : i32
    %mul3A_120 = arith.constant 128 : i32
    %mul3A_121 = arith.muli %shift_right_logical3A_119, %mul3A_120 : i32
    %dma_start3A_122 = arith.constant 6 : i32
    %dma_start3A_123 = arith.constant 0 : i32
    %dma_start3A_124 = arith.constant 0 : i32
    %dma_start3A_125 = tpu.memref_slice %arg6[%dma_start3A_122, %dma_start3A_123, %dma_start3A_124] : memref<8x64x128xf32, #tpu.memory_space<vmem>> -> memref<1x64x128xf32, #tpu.memory_space<vmem>>
    %dma_start3A_126 = tpu.memref_squeeze %dma_start3A_125 : memref<1x64x128xf32, #tpu.memory_space<vmem>> -> memref<64x128xf32, #tpu.memory_space<vmem>>
    %dma_start3A_127 = arith.constant 0 : i32
    %dma_start3A_128 = tpu.memref_slice %arg3[%dma_start3A_127, %mul3A_121] : memref<64x1000000xf32, #tpu.memory_space<hbm>> -> memref<64x128xf32, #tpu.memory_space<hbm>>
    %dma_start3A_129 = arith.constant 0 : i32
    %dma_start3A_130 = arith.constant 0 : i32
    %dma_start3A_131 = tpu.memref_slice %arg6[%dma_start3A_122, %dma_start3A_129, %dma_start3A_130] : memref<8x64x128xf32, #tpu.memory_space<vmem>> -> memref<1x64x128xf32, #tpu.memory_space<vmem>>
    %dma_start3A_132 = tpu.memref_squeeze %dma_start3A_131 : memref<1x64x128xf32, #tpu.memory_space<vmem>> -> memref<64x128xf32, #tpu.memory_space<vmem>>
    %dma_start3A_133 = arith.constant 0 : i32
    %dma_start3A_134 = tpu.memref_slice %arg3[%dma_start3A_133, %mul3A_121] : memref<64x1000000xf32, #tpu.memory_space<hbm>> -> memref<64x128xf32, #tpu.memory_space<hbm>>
    tpu.enqueue_dma source(%dma_start3A_134 : memref<64x128xf32, #tpu.memory_space<hbm>>) target(%dma_start3A_132 : memref<64x128xf32, #tpu.memory_space<vmem>>) target_semaphore(%arg9 : memref<!tpu.dma_semaphore, #tpu.memory_space<semaphore_mem>>)
    %slice3A_135 = vector.extract_strided_slice %get3A_5 {offsets = [7], sizes = [1], strides = [1]} : vector<16xi32> to vector<1xi32>
    %squeeze3A_136 = vector.extract %slice3A_135[0] : i32 from vector<1xi32>
    %shift_right_logical3A_137 = arith.constant 7 : i32
    %shift_right_logical3A_138 = arith.shrui %squeeze3A_136, %shift_right_logical3A_137 : i32
    %mul3A_139 = arith.constant 128 : i32
    %mul3A_140 = arith.muli %shift_right_logical3A_138, %mul3A_139 : i32
    %dma_start3A_141 = arith.constant 7 : i32
    %dma_start3A_142 = arith.constant 0 : i32
    %dma_start3A_143 = arith.constant 0 : i32
    %dma_start3A_144 = tpu.memref_slice %arg6[%dma_start3A_141, %dma_start3A_142, %dma_start3A_143] : memref<8x64x128xf32, #tpu.memory_space<vmem>> -> memref<1x64x128xf32, #tpu.memory_space<vmem>>
    %dma_start3A_145 = tpu.memref_squeeze %dma_start3A_144 : memref<1x64x128xf32, #tpu.memory_space<vmem>> -> memref<64x128xf32, #tpu.memory_space<vmem>>
    %dma_start3A_146 = arith.constant 0 : i32
    %dma_start3A_147 = tpu.memref_slice %arg3[%dma_start3A_146, %mul3A_140] : memref<64x1000000xf32, #tpu.memory_space<hbm>> -> memref<64x128xf32, #tpu.memory_space<hbm>>
    %dma_start3A_148 = arith.constant 0 : i32
    %dma_start3A_149 = arith.constant 0 : i32
    %dma_start3A_150 = tpu.memref_slice %arg6[%dma_start3A_141, %dma_start3A_148, %dma_start3A_149] : memref<8x64x128xf32, #tpu.memory_space<vmem>> -> memref<1x64x128xf32, #tpu.memory_space<vmem>>
    %dma_start3A_151 = tpu.memref_squeeze %dma_start3A_150 : memref<1x64x128xf32, #tpu.memory_space<vmem>> -> memref<64x128xf32, #tpu.memory_space<vmem>>
    %dma_start3A_152 = arith.constant 0 : i32
    %dma_start3A_153 = tpu.memref_slice %arg3[%dma_start3A_152, %mul3A_140] : memref<64x1000000xf32, #tpu.memory_space<hbm>> -> memref<64x128xf32, #tpu.memory_space<hbm>>
    tpu.enqueue_dma source(%dma_start3A_153 : memref<64x128xf32, #tpu.memory_space<hbm>>) target(%dma_start3A_151 : memref<64x128xf32, #tpu.memory_space<vmem>>) target_semaphore(%arg9 : memref<!tpu.dma_semaphore, #tpu.memory_space<semaphore_mem>>)
    %iota3A = tpu.iota {dimensions = array<i32: 0>} : vector<16xi32>
    %shift_right_logical3A_154 = arith.constant 1 : i32
    %shift_right_logical3A_155 = vector.broadcast %shift_right_logical3A_154 : i32 to vector<16xi32>
    %shift_right_logical3A_156 = arith.shrui %iota3A, %shift_right_logical3A_155 : vector<16xi32>
    %and3A = arith.constant 1 : i32
    %and3A_157 = vector.broadcast %and3A : i32 to vector<16xi32>
    %and3A_158 = arith.andi %iota3A, %and3A_157 : vector<16xi32>
    %scan3A = arith.constant 0 : i32
    %scan3A_159 = arith.constant 0 : i32
    %scan3A_160 = arith.constant 64 : i32
    %scan3A_161 = arith.addi %scan3A_159, %scan3A_160 : i32
    %scan3A_162 = arith.constant 1 : i32
    scf.for %scan3A_164 = %scan3A_159 to %scan3A_161 step %scan3A_162  : i32 {
      %dma_wait3A = arith.constant 0 : i32
      %dma_wait3A_165 = arith.constant 0 : i32
      %dma_wait3A_166 = tpu.memref_slice %arg3[%dma_wait3A, %dma_wait3A_165] : memref<64x1000000xf32, #tpu.memory_space<hbm>> -> memref<64x512xf32, #tpu.memory_space<hbm>>
      %dma_wait3A_167 = arith.constant 0 : i32
      %dma_wait3A_168 = arith.constant 0 : i32
      %dma_wait3A_169 = tpu.memref_slice %arg3[%dma_wait3A_167, %dma_wait3A_168] : memref<64x1000000xf32, #tpu.memory_space<hbm>> -> memref<64x512xf32, #tpu.memory_space<hbm>>
      tpu.wait_dma2 semaphore(%arg9 : memref<!tpu.dma_semaphore, #tpu.memory_space<semaphore_mem>>) src(%dma_wait3A_169 : memref<64x512xf32, #tpu.memory_space<hbm>>) dst(%arg7 : memref<64x512xf32, #tpu.memory_space<vmem>>)
      %dma_wait3A_170 = arith.constant 0 : i32
      %dma_wait3A_171 = arith.constant 0 : i32
      %dma_wait3A_172 = tpu.memref_slice %arg3[%dma_wait3A_170, %dma_wait3A_171] : memref<64x1000000xf32, #tpu.memory_space<hbm>> -> memref<64x512xf32, #tpu.memory_space<hbm>>
      %dma_wait3A_173 = arith.constant 0 : i32
      %dma_wait3A_174 = arith.constant 0 : i32
      %dma_wait3A_175 = tpu.memref_slice %arg3[%dma_wait3A_173, %dma_wait3A_174] : memref<64x1000000xf32, #tpu.memory_space<hbm>> -> memref<64x512xf32, #tpu.memory_space<hbm>>
      tpu.wait_dma2 semaphore(%arg9 : memref<!tpu.dma_semaphore, #tpu.memory_space<semaphore_mem>>) src(%dma_wait3A_175 : memref<64x512xf32, #tpu.memory_space<hbm>>) dst(%arg7 : memref<64x512xf32, #tpu.memory_space<vmem>>)
      %mul3A_176 = arith.constant 8 : i32
      %mul3A_177 = arith.muli %scan3A_164, %mul3A_176 : i32
      %add3A_178 = vector.broadcast %mul3A_177 : i32 to vector<16xi32>
      %add3A_179 = arith.addi %add3A_178, %shift_right_logical3A_156 : vector<16xi32>
      %gather3A = tpu.vector_load_idx %arg5[%add3A_179] : memref<528xi32, #tpu.memory_space<vmem>>[vector<16xi32>], vector<16xi32>,
      %and3A_180 = arith.constant 127 : i32
      %and3A_181 = vector.broadcast %and3A_180 : i32 to vector<16xi32>
      %and3A_182 = arith.andi %gather3A, %and3A_181 : vector<16xi32>
      %broadcast_in_dim3A_183 = arith.constant 0.000000e+00 : f32
      %broadcast_in_dim3A_184 = vector.broadcast %broadcast_in_dim3A_183 : f32 to vector<16xf32>
      %broadcast_in_dim3A_185 = arith.constant 0 : i32
      %broadcast_in_dim3A_186 = vector.broadcast %broadcast_in_dim3A_185 : i32 to vector<16xi32>
      %add3A_187 = arith.addi %broadcast_in_dim3A_186, %and3A_158 : vector<16xi32>
      %gather3A_188 = tpu.vector_load_idx %arg6[%shift_right_logical3A_156, %add3A_187, %and3A_182] : memref<8x64x128xf32, #tpu.memory_space<vmem>>[vector<16xi32>, vector<16xi32>, vector<16xi32>], vector<16xf32>,
      %mul3A_189 = arith.mulf %gather3A_188, %gather3A_188 : vector<16xf32>
      %add3A_190 = arith.addf %broadcast_in_dim3A_184, %mul3A_189 : vector<16xf32>
      %broadcast_in_dim3A_191 = arith.constant 2 : i32
      %broadcast_in_dim3A_192 = vector.broadcast %broadcast_in_dim3A_191 : i32 to vector<16xi32>
      %add3A_193 = arith.addi %broadcast_in_dim3A_192, %and3A_158 : vector<16xi32>
      %gather3A_194 = tpu.vector_load_idx %arg6[%shift_right_logical3A_156, %add3A_193, %and3A_182] : memref<8x64x128xf32, #tpu.memory_space<vmem>>[vector<16xi32>, vector<16xi32>, vector<16xi32>], vector<16xf32>,
      %mul3A_195 = arith.mulf %gather3A_194, %gather3A_194 : vector<16xf32>
      %add3A_196 = arith.addf %add3A_190, %mul3A_195 : vector<16xf32>
      %broadcast_in_dim3A_197 = arith.constant 4 : i32
      %broadcast_in_dim3A_198 = vector.broadcast %broadcast_in_dim3A_197 : i32 to vector<16xi32>
      %add3A_199 = arith.addi %broadcast_in_dim3A_198, %and3A_158 : vector<16xi32>
      %gather3A_200 = tpu.vector_load_idx %arg6[%shift_right_logical3A_156, %add3A_199, %and3A_182] : memref<8x64x128xf32, #tpu.memory_space<vmem>>[vector<16xi32>, vector<16xi32>, vector<16xi32>], vector<16xf32>,
      %mul3A_201 = arith.mulf %gather3A_200, %gather3A_200 : vector<16xf32>
      %add3A_202 = arith.addf %add3A_196, %mul3A_201 : vector<16xf32>
      %broadcast_in_dim3A_203 = arith.constant 6 : i32
      %broadcast_in_dim3A_204 = vector.broadcast %broadcast_in_dim3A_203 : i32 to vector<16xi32>
      %add3A_205 = arith.addi %broadcast_in_dim3A_204, %and3A_158 : vector<16xi32>
      %gather3A_206 = tpu.vector_load_idx %arg6[%shift_right_logical3A_156, %add3A_205, %and3A_182] : memref<8x64x128xf32, #tpu.memory_space<vmem>>[vector<16xi32>, vector<16xi32>, vector<16xi32>], vector<16xf32>,
      %mul3A_207 = arith.mulf %gather3A_206, %gather3A_206 : vector<16xf32>
      %add3A_208 = arith.addf %add3A_202, %mul3A_207 : vector<16xf32>
      %broadcast_in_dim3A_209 = arith.constant 8 : i32
      %broadcast_in_dim3A_210 = vector.broadcast %broadcast_in_dim3A_209 : i32 to vector<16xi32>
      %add3A_211 = arith.addi %broadcast_in_dim3A_210, %and3A_158 : vector<16xi32>
      %gather3A_212 = tpu.vector_load_idx %arg6[%shift_right_logical3A_156, %add3A_211, %and3A_182] : memref<8x64x128xf32, #tpu.memory_space<vmem>>[vector<16xi32>, vector<16xi32>, vector<16xi32>], vector<16xf32>,
      %mul3A_213 = arith.mulf %gather3A_212, %gather3A_212 : vector<16xf32>
      %add3A_214 = arith.addf %add3A_208, %mul3A_213 : vector<16xf32>
      %broadcast_in_dim3A_215 = arith.constant 10 : i32
      %broadcast_in_dim3A_216 = vector.broadcast %broadcast_in_dim3A_215 : i32 to vector<16xi32>
      %add3A_217 = arith.addi %broadcast_in_dim3A_216, %and3A_158 : vector<16xi32>
      %gather3A_218 = tpu.vector_load_idx %arg6[%shift_right_logical3A_156, %add3A_217, %and3A_182] : memref<8x64x128xf32, #tpu.memory_space<vmem>>[vector<16xi32>, vector<16xi32>, vector<16xi32>], vector<16xf32>,
      %mul3A_219 = arith.mulf %gather3A_218, %gather3A_218 : vector<16xf32>
      %add3A_220 = arith.addf %add3A_214, %mul3A_219 : vector<16xf32>
      %broadcast_in_dim3A_221 = arith.constant 12 : i32
      %broadcast_in_dim3A_222 = vector.broadcast %broadcast_in_dim3A_221 : i32 to vector<16xi32>
      %add3A_223 = arith.addi %broadcast_in_dim3A_222, %and3A_158 : vector<16xi32>
      %gather3A_224 = tpu.vector_load_idx %arg6[%shift_right_logical3A_156, %add3A_223, %and3A_182] : memref<8x64x128xf32, #tpu.memory_space<vmem>>[vector<16xi32>, vector<16xi32>, vector<16xi32>], vector<16xf32>,
      %mul3A_225 = arith.mulf %gather3A_224, %gather3A_224 : vector<16xf32>
      %add3A_226 = arith.addf %add3A_220, %mul3A_225 : vector<16xf32>
      %broadcast_in_dim3A_227 = arith.constant 14 : i32
      %broadcast_in_dim3A_228 = vector.broadcast %broadcast_in_dim3A_227 : i32 to vector<16xi32>
      %add3A_229 = arith.addi %broadcast_in_dim3A_228, %and3A_158 : vector<16xi32>
      %gather3A_230 = tpu.vector_load_idx %arg6[%shift_right_logical3A_156, %add3A_229, %and3A_182] : memref<8x64x128xf32, #tpu.memory_space<vmem>>[vector<16xi32>, vector<16xi32>, vector<16xi32>], vector<16xf32>,
      %mul3A_231 = arith.mulf %gather3A_230, %gather3A_230 : vector<16xf32>
      %add3A_232 = arith.addf %add3A_226, %mul3A_231 : vector<16xf32>
      %broadcast_in_dim3A_233 = arith.constant 16 : i32
      %broadcast_in_dim3A_234 = vector.broadcast %broadcast_in_dim3A_233 : i32 to vector<16xi32>
      %add3A_235 = arith.addi %broadcast_in_dim3A_234, %and3A_158 : vector<16xi32>
      %gather3A_236 = tpu.vector_load_idx %arg6[%shift_right_logical3A_156, %add3A_235, %and3A_182] : memref<8x64x128xf32, #tpu.memory_space<vmem>>[vector<16xi32>, vector<16xi32>, vector<16xi32>], vector<16xf32>,
      %mul3A_237 = arith.mulf %gather3A_236, %gather3A_236 : vector<16xf32>
      %add3A_238 = arith.addf %add3A_232, %mul3A_237 : vector<16xf32>
      %broadcast_in_dim3A_239 = arith.constant 18 : i32
      %broadcast_in_dim3A_240 = vector.broadcast %broadcast_in_dim3A_239 : i32 to vector<16xi32>
      %add3A_241 = arith.addi %broadcast_in_dim3A_240, %and3A_158 : vector<16xi32>
      %gather3A_242 = tpu.vector_load_idx %arg6[%shift_right_logical3A_156, %add3A_241, %and3A_182] : memref<8x64x128xf32, #tpu.memory_space<vmem>>[vector<16xi32>, vector<16xi32>, vector<16xi32>], vector<16xf32>,
      %mul3A_243 = arith.mulf %gather3A_242, %gather3A_242 : vector<16xf32>
      %add3A_244 = arith.addf %add3A_238, %mul3A_243 : vector<16xf32>
      %broadcast_in_dim3A_245 = arith.constant 20 : i32
      %broadcast_in_dim3A_246 = vector.broadcast %broadcast_in_dim3A_245 : i32 to vector<16xi32>
      %add3A_247 = arith.addi %broadcast_in_dim3A_246, %and3A_158 : vector<16xi32>
      %gather3A_248 = tpu.vector_load_idx %arg6[%shift_right_logical3A_156, %add3A_247, %and3A_182] : memref<8x64x128xf32, #tpu.memory_space<vmem>>[vector<16xi32>, vector<16xi32>, vector<16xi32>], vector<16xf32>,
      %mul3A_249 = arith.mulf %gather3A_248, %gather3A_248 : vector<16xf32>
      %add3A_250 = arith.addf %add3A_244, %mul3A_249 : vector<16xf32>
      %broadcast_in_dim3A_251 = arith.constant 22 : i32
      %broadcast_in_dim3A_252 = vector.broadcast %broadcast_in_dim3A_251 : i32 to vector<16xi32>
      %add3A_253 = arith.addi %broadcast_in_dim3A_252, %and3A_158 : vector<16xi32>
      %gather3A_254 = tpu.vector_load_idx %arg6[%shift_right_logical3A_156, %add3A_253, %and3A_182] : memref<8x64x128xf32, #tpu.memory_space<vmem>>[vector<16xi32>, vector<16xi32>, vector<16xi32>], vector<16xf32>,
      %mul3A_255 = arith.mulf %gather3A_254, %gather3A_254 : vector<16xf32>
      %add3A_256 = arith.addf %add3A_250, %mul3A_255 : vector<16xf32>
      %broadcast_in_dim3A_257 = arith.constant 24 : i32
      %broadcast_in_dim3A_258 = vector.broadcast %broadcast_in_dim3A_257 : i32 to vector<16xi32>
      %add3A_259 = arith.addi %broadcast_in_dim3A_258, %and3A_158 : vector<16xi32>
      %gather3A_260 = tpu.vector_load_idx %arg6[%shift_right_logical3A_156, %add3A_259, %and3A_182] : memref<8x64x128xf32, #tpu.memory_space<vmem>>[vector<16xi32>, vector<16xi32>, vector<16xi32>], vector<16xf32>,
      %mul3A_261 = arith.mulf %gather3A_260, %gather3A_260 : vector<16xf32>
      %add3A_262 = arith.addf %add3A_256, %mul3A_261 : vector<16xf32>
      %broadcast_in_dim3A_263 = arith.constant 26 : i32
      %broadcast_in_dim3A_264 = vector.broadcast %broadcast_in_dim3A_263 : i32 to vector<16xi32>
      %add3A_265 = arith.addi %broadcast_in_dim3A_264, %and3A_158 : vector<16xi32>
      %gather3A_266 = tpu.vector_load_idx %arg6[%shift_right_logical3A_156, %add3A_265, %and3A_182] : memref<8x64x128xf32, #tpu.memory_space<vmem>>[vector<16xi32>, vector<16xi32>, vector<16xi32>], vector<16xf32>,
      %mul3A_267 = arith.mulf %gather3A_266, %gather3A_266 : vector<16xf32>
      %add3A_268 = arith.addf %add3A_262, %mul3A_267 : vector<16xf32>
      %broadcast_in_dim3A_269 = arith.constant 28 : i32
      %broadcast_in_dim3A_270 = vector.broadcast %broadcast_in_dim3A_269 : i32 to vector<16xi32>
      %add3A_271 = arith.addi %broadcast_in_dim3A_270, %and3A_158 : vector<16xi32>
      %gather3A_272 = tpu.vector_load_idx %arg6[%shift_right_logical3A_156, %add3A_271, %and3A_182] : memref<8x64x128xf32, #tpu.memory_space<vmem>>[vector<16xi32>, vector<16xi32>, vector<16xi32>], vector<16xf32>,
      %mul3A_273 = arith.mulf %gather3A_272, %gather3A_272 : vector<16xf32>
      %add3A_274 = arith.addf %add3A_268, %mul3A_273 : vector<16xf32>
      %broadcast_in_dim3A_275 = arith.constant 30 : i32
      %broadcast_in_dim3A_276 = vector.broadcast %broadcast_in_dim3A_275 : i32 to vector<16xi32>
      %add3A_277 = arith.addi %broadcast_in_dim3A_276, %and3A_158 : vector<16xi32>
      %gather3A_278 = tpu.vector_load_idx %arg6[%shift_right_logical3A_156, %add3A_277, %and3A_182] : memref<8x64x128xf32, #tpu.memory_space<vmem>>[vector<16xi32>, vector<16xi32>, vector<16xi32>], vector<16xf32>,
      %mul3A_279 = arith.mulf %gather3A_278, %gather3A_278 : vector<16xf32>
      %add3A_280 = arith.addf %add3A_274, %mul3A_279 : vector<16xf32>
      %broadcast_in_dim3A_281 = arith.constant 32 : i32
      %broadcast_in_dim3A_282 = vector.broadcast %broadcast_in_dim3A_281 : i32 to vector<16xi32>
      %add3A_283 = arith.addi %broadcast_in_dim3A_282, %and3A_158 : vector<16xi32>
      %gather3A_284 = tpu.vector_load_idx %arg6[%shift_right_logical3A_156, %add3A_283, %and3A_182] : memref<8x64x128xf32, #tpu.memory_space<vmem>>[vector<16xi32>, vector<16xi32>, vector<16xi32>], vector<16xf32>,
      %mul3A_285 = arith.mulf %gather3A_284, %gather3A_284 : vector<16xf32>
      %add3A_286 = arith.addf %add3A_280, %mul3A_285 : vector<16xf32>
      %broadcast_in_dim3A_287 = arith.constant 34 : i32
      %broadcast_in_dim3A_288 = vector.broadcast %broadcast_in_dim3A_287 : i32 to vector<16xi32>
      %add3A_289 = arith.addi %broadcast_in_dim3A_288, %and3A_158 : vector<16xi32>
      %gather3A_290 = tpu.vector_load_idx %arg6[%shift_right_logical3A_156, %add3A_289, %and3A_182] : memref<8x64x128xf32, #tpu.memory_space<vmem>>[vector<16xi32>, vector<16xi32>, vector<16xi32>], vector<16xf32>,
      %mul3A_291 = arith.mulf %gather3A_290, %gather3A_290 : vector<16xf32>
      %add3A_292 = arith.addf %add3A_286, %mul3A_291 : vector<16xf32>
      %broadcast_in_dim3A_293 = arith.constant 36 : i32
      %broadcast_in_dim3A_294 = vector.broadcast %broadcast_in_dim3A_293 : i32 to vector<16xi32>
      %add3A_295 = arith.addi %broadcast_in_dim3A_294, %and3A_158 : vector<16xi32>
      %gather3A_296 = tpu.vector_load_idx %arg6[%shift_right_logical3A_156, %add3A_295, %and3A_182] : memref<8x64x128xf32, #tpu.memory_space<vmem>>[vector<16xi32>, vector<16xi32>, vector<16xi32>], vector<16xf32>,
      %mul3A_297 = arith.mulf %gather3A_296, %gather3A_296 : vector<16xf32>
      %add3A_298 = arith.addf %add3A_292, %mul3A_297 : vector<16xf32>
      %broadcast_in_dim3A_299 = arith.constant 38 : i32
      %broadcast_in_dim3A_300 = vector.broadcast %broadcast_in_dim3A_299 : i32 to vector<16xi32>
      %add3A_301 = arith.addi %broadcast_in_dim3A_300, %and3A_158 : vector<16xi32>
      %gather3A_302 = tpu.vector_load_idx %arg6[%shift_right_logical3A_156, %add3A_301, %and3A_182] : memref<8x64x128xf32, #tpu.memory_space<vmem>>[vector<16xi32>, vector<16xi32>, vector<16xi32>], vector<16xf32>,
      %mul3A_303 = arith.mulf %gather3A_302, %gather3A_302 : vector<16xf32>
      %add3A_304 = arith.addf %add3A_298, %mul3A_303 : vector<16xf32>
      %broadcast_in_dim3A_305 = arith.constant 40 : i32
      %broadcast_in_dim3A_306 = vector.broadcast %broadcast_in_dim3A_305 : i32 to vector<16xi32>
      %add3A_307 = arith.addi %broadcast_in_dim3A_306, %and3A_158 : vector<16xi32>
      %gather3A_308 = tpu.vector_load_idx %arg6[%shift_right_logical3A_156, %add3A_307, %and3A_182] : memref<8x64x128xf32, #tpu.memory_space<vmem>>[vector<16xi32>, vector<16xi32>, vector<16xi32>], vector<16xf32>,
      %mul3A_309 = arith.mulf %gather3A_308, %gather3A_308 : vector<16xf32>
      %add3A_310 = arith.addf %add3A_304, %mul3A_309 : vector<16xf32>
      %broadcast_in_dim3A_311 = arith.constant 42 : i32
      %broadcast_in_dim3A_312 = vector.broadcast %broadcast_in_dim3A_311 : i32 to vector<16xi32>
      %add3A_313 = arith.addi %broadcast_in_dim3A_312, %and3A_158 : vector<16xi32>
      %gather3A_314 = tpu.vector_load_idx %arg6[%shift_right_logical3A_156, %add3A_313, %and3A_182] : memref<8x64x128xf32, #tpu.memory_space<vmem>>[vector<16xi32>, vector<16xi32>, vector<16xi32>], vector<16xf32>,
      %mul3A_315 = arith.mulf %gather3A_314, %gather3A_314 : vector<16xf32>
      %add3A_316 = arith.addf %add3A_310, %mul3A_315 : vector<16xf32>
      %broadcast_in_dim3A_317 = arith.constant 44 : i32
      %broadcast_in_dim3A_318 = vector.broadcast %broadcast_in_dim3A_317 : i32 to vector<16xi32>
      %add3A_319 = arith.addi %broadcast_in_dim3A_318, %and3A_158 : vector<16xi32>
      %gather3A_320 = tpu.vector_load_idx %arg6[%shift_right_logical3A_156, %add3A_319, %and3A_182] : memref<8x64x128xf32, #tpu.memory_space<vmem>>[vector<16xi32>, vector<16xi32>, vector<16xi32>], vector<16xf32>,
      %mul3A_321 = arith.mulf %gather3A_320, %gather3A_320 : vector<16xf32>
      %add3A_322 = arith.addf %add3A_316, %mul3A_321 : vector<16xf32>
      %broadcast_in_dim3A_323 = arith.constant 46 : i32
      %broadcast_in_dim3A_324 = vector.broadcast %broadcast_in_dim3A_323 : i32 to vector<16xi32>
      %add3A_325 = arith.addi %broadcast_in_dim3A_324, %and3A_158 : vector<16xi32>
      %gather3A_326 = tpu.vector_load_idx %arg6[%shift_right_logical3A_156, %add3A_325, %and3A_182] : memref<8x64x128xf32, #tpu.memory_space<vmem>>[vector<16xi32>, vector<16xi32>, vector<16xi32>], vector<16xf32>,
      %mul3A_327 = arith.mulf %gather3A_326, %gather3A_326 : vector<16xf32>
      %add3A_328 = arith.addf %add3A_322, %mul3A_327 : vector<16xf32>
      %broadcast_in_dim3A_329 = arith.constant 48 : i32
      %broadcast_in_dim3A_330 = vector.broadcast %broadcast_in_dim3A_329 : i32 to vector<16xi32>
      %add3A_331 = arith.addi %broadcast_in_dim3A_330, %and3A_158 : vector<16xi32>
      %gather3A_332 = tpu.vector_load_idx %arg6[%shift_right_logical3A_156, %add3A_331, %and3A_182] : memref<8x64x128xf32, #tpu.memory_space<vmem>>[vector<16xi32>, vector<16xi32>, vector<16xi32>], vector<16xf32>,
      %mul3A_333 = arith.mulf %gather3A_332, %gather3A_332 : vector<16xf32>
      %add3A_334 = arith.addf %add3A_328, %mul3A_333 : vector<16xf32>
      %broadcast_in_dim3A_335 = arith.constant 50 : i32
      %broadcast_in_dim3A_336 = vector.broadcast %broadcast_in_dim3A_335 : i32 to vector<16xi32>
      %add3A_337 = arith.addi %broadcast_in_dim3A_336, %and3A_158 : vector<16xi32>
      %gather3A_338 = tpu.vector_load_idx %arg6[%shift_right_logical3A_156, %add3A_337, %and3A_182] : memref<8x64x128xf32, #tpu.memory_space<vmem>>[vector<16xi32>, vector<16xi32>, vector<16xi32>], vector<16xf32>,
      %mul3A_339 = arith.mulf %gather3A_338, %gather3A_338 : vector<16xf32>
      %add3A_340 = arith.addf %add3A_334, %mul3A_339 : vector<16xf32>
      %broadcast_in_dim3A_341 = arith.constant 52 : i32
      %broadcast_in_dim3A_342 = vector.broadcast %broadcast_in_dim3A_341 : i32 to vector<16xi32>
      %add3A_343 = arith.addi %broadcast_in_dim3A_342, %and3A_158 : vector<16xi32>
      %gather3A_344 = tpu.vector_load_idx %arg6[%shift_right_logical3A_156, %add3A_343, %and3A_182] : memref<8x64x128xf32, #tpu.memory_space<vmem>>[vector<16xi32>, vector<16xi32>, vector<16xi32>], vector<16xf32>,
      %mul3A_345 = arith.mulf %gather3A_344, %gather3A_344 : vector<16xf32>
      %add3A_346 = arith.addf %add3A_340, %mul3A_345 : vector<16xf32>
      %broadcast_in_dim3A_347 = arith.constant 54 : i32
      %broadcast_in_dim3A_348 = vector.broadcast %broadcast_in_dim3A_347 : i32 to vector<16xi32>
      %add3A_349 = arith.addi %broadcast_in_dim3A_348, %and3A_158 : vector<16xi32>
      %gather3A_350 = tpu.vector_load_idx %arg6[%shift_right_logical3A_156, %add3A_349, %and3A_182] : memref<8x64x128xf32, #tpu.memory_space<vmem>>[vector<16xi32>, vector<16xi32>, vector<16xi32>], vector<16xf32>,
      %mul3A_351 = arith.mulf %gather3A_350, %gather3A_350 : vector<16xf32>
      %add3A_352 = arith.addf %add3A_346, %mul3A_351 : vector<16xf32>
      %broadcast_in_dim3A_353 = arith.constant 56 : i32
      %broadcast_in_dim3A_354 = vector.broadcast %broadcast_in_dim3A_353 : i32 to vector<16xi32>
      %add3A_355 = arith.addi %broadcast_in_dim3A_354, %and3A_158 : vector<16xi32>
      %gather3A_356 = tpu.vector_load_idx %arg6[%shift_right_logical3A_156, %add3A_355, %and3A_182] : memref<8x64x128xf32, #tpu.memory_space<vmem>>[vector<16xi32>, vector<16xi32>, vector<16xi32>], vector<16xf32>,
      %mul3A_357 = arith.mulf %gather3A_356, %gather3A_356 : vector<16xf32>
      %add3A_358 = arith.addf %add3A_352, %mul3A_357 : vector<16xf32>
      %broadcast_in_dim3A_359 = arith.constant 58 : i32
      %broadcast_in_dim3A_360 = vector.broadcast %broadcast_in_dim3A_359 : i32 to vector<16xi32>
      %add3A_361 = arith.addi %broadcast_in_dim3A_360, %and3A_158 : vector<16xi32>
      %gather3A_362 = tpu.vector_load_idx %arg6[%shift_right_logical3A_156, %add3A_361, %and3A_182] : memref<8x64x128xf32, #tpu.memory_space<vmem>>[vector<16xi32>, vector<16xi32>, vector<16xi32>], vector<16xf32>,
      %mul3A_363 = arith.mulf %gather3A_362, %gather3A_362 : vector<16xf32>
      %add3A_364 = arith.addf %add3A_358, %mul3A_363 : vector<16xf32>
      %broadcast_in_dim3A_365 = arith.constant 60 : i32
      %broadcast_in_dim3A_366 = vector.broadcast %broadcast_in_dim3A_365 : i32 to vector<16xi32>
      %add3A_367 = arith.addi %broadcast_in_dim3A_366, %and3A_158 : vector<16xi32>
      %gather3A_368 = tpu.vector_load_idx %arg6[%shift_right_logical3A_156, %add3A_367, %and3A_182] : memref<8x64x128xf32, #tpu.memory_space<vmem>>[vector<16xi32>, vector<16xi32>, vector<16xi32>], vector<16xf32>,
      %mul3A_369 = arith.mulf %gather3A_368, %gather3A_368 : vector<16xf32>
      %add3A_370 = arith.addf %add3A_364, %mul3A_369 : vector<16xf32>
      %broadcast_in_dim3A_371 = arith.constant 62 : i32
      %broadcast_in_dim3A_372 = vector.broadcast %broadcast_in_dim3A_371 : i32 to vector<16xi32>
      %add3A_373 = arith.addi %broadcast_in_dim3A_372, %and3A_158 : vector<16xi32>
      %gather3A_374 = tpu.vector_load_idx %arg6[%shift_right_logical3A_156, %add3A_373, %and3A_182] : memref<8x64x128xf32, #tpu.memory_space<vmem>>[vector<16xi32>, vector<16xi32>, vector<16xi32>], vector<16xf32>,
      %mul3A_375 = arith.mulf %gather3A_374, %gather3A_374 : vector<16xf32>
      %add3A_376 = arith.addf %add3A_370, %mul3A_375 : vector<16xf32>
      %lt3A = arith.constant 63 : i32
      %lt3A_377 = arith.cmpi slt, %scan3A_164, %lt3A : i32
      %convert_element_type3A = arith.extui %lt3A_377 : i1 to i32
      %cond3A = arith.constant 0 : i32
      %cond3A_378 = arith.cmpi ne, %convert_element_type3A, %cond3A : i32
      scf.if %cond3A_378 {
        %add3A_455 = arith.constant 1 : i32
        %add3A_456 = arith.addi %scan3A_164, %add3A_455 : i32
        %mul3A_457 = arith.constant 8 : i32
        %mul3A_458 = arith.muli %add3A_456, %mul3A_457 : i32
        %get3A_459 = arith.index_cast %mul3A_458 : i32 to index
        %get3A_460 = tpu.vector_load %arg5[%get3A_459] {strides = array<i32>} : memref<528xi32, #tpu.memory_space<vmem>>, vector<16xi32>,
        %slice3A_461 = vector.extract_strided_slice %get3A_460 {offsets = [0], sizes = [1], strides = [1]} : vector<16xi32> to vector<1xi32>
        %squeeze3A_462 = vector.extract %slice3A_461[0] : i32 from vector<1xi32>
        %shift_right_logical3A_463 = arith.constant 7 : i32
        %shift_right_logical3A_464 = arith.shrui %squeeze3A_462, %shift_right_logical3A_463 : i32
        %mul3A_465 = arith.constant 128 : i32
        %mul3A_466 = arith.muli %shift_right_logical3A_464, %mul3A_465 : i32
        %dma_start3A_467 = arith.constant 0 : i32
        %dma_start3A_468 = arith.constant 0 : i32
        %dma_start3A_469 = arith.constant 0 : i32
        %dma_start3A_470 = tpu.memref_slice %arg6[%dma_start3A_467, %dma_start3A_468, %dma_start3A_469] : memref<8x64x128xf32, #tpu.memory_space<vmem>> -> memref<1x64x128xf32, #tpu.memory_space<vmem>>
        %dma_start3A_471 = tpu.memref_squeeze %dma_start3A_470 : memref<1x64x128xf32, #tpu.memory_space<vmem>> -> memref<64x128xf32, #tpu.memory_space<vmem>>
        %dma_start3A_472 = arith.constant 0 : i32
        %dma_start3A_473 = tpu.memref_slice %arg3[%dma_start3A_472, %mul3A_466] : memref<64x1000000xf32, #tpu.memory_space<hbm>> -> memref<64x128xf32, #tpu.memory_space<hbm>>
        %dma_start3A_474 = arith.constant 0 : i32
        %dma_start3A_475 = arith.constant 0 : i32
        %dma_start3A_476 = tpu.memref_slice %arg6[%dma_start3A_467, %dma_start3A_474, %dma_start3A_475] : memref<8x64x128xf32, #tpu.memory_space<vmem>> -> memref<1x64x128xf32, #tpu.memory_space<vmem>>
        %dma_start3A_477 = tpu.memref_squeeze %dma_start3A_476 : memref<1x64x128xf32, #tpu.memory_space<vmem>> -> memref<64x128xf32, #tpu.memory_space<vmem>>
        %dma_start3A_478 = arith.constant 0 : i32
        %dma_start3A_479 = tpu.memref_slice %arg3[%dma_start3A_478, %mul3A_466] : memref<64x1000000xf32, #tpu.memory_space<hbm>> -> memref<64x128xf32, #tpu.memory_space<hbm>>
        tpu.enqueue_dma source(%dma_start3A_479 : memref<64x128xf32, #tpu.memory_space<hbm>>) target(%dma_start3A_477 : memref<64x128xf32, #tpu.memory_space<vmem>>) target_semaphore(%arg9 : memref<!tpu.dma_semaphore, #tpu.memory_space<semaphore_mem>>)
        %slice3A_480 = vector.extract_strided_slice %get3A_460 {offsets = [1], sizes = [1], strides = [1]} : vector<16xi32> to vector<1xi32>
        %squeeze3A_481 = vector.extract %slice3A_480[0] : i32 from vector<1xi32>
        %shift_right_logical3A_482 = arith.constant 7 : i32
        %shift_right_logical3A_483 = arith.shrui %squeeze3A_481, %shift_right_logical3A_482 : i32
        %mul3A_484 = arith.constant 128 : i32
        %mul3A_485 = arith.muli %shift_right_logical3A_483, %mul3A_484 : i32
        %dma_start3A_486 = arith.constant 1 : i32
        %dma_start3A_487 = arith.constant 0 : i32
        %dma_start3A_488 = arith.constant 0 : i32
        %dma_start3A_489 = tpu.memref_slice %arg6[%dma_start3A_486, %dma_start3A_487, %dma_start3A_488] : memref<8x64x128xf32, #tpu.memory_space<vmem>> -> memref<1x64x128xf32, #tpu.memory_space<vmem>>
        %dma_start3A_490 = tpu.memref_squeeze %dma_start3A_489 : memref<1x64x128xf32, #tpu.memory_space<vmem>> -> memref<64x128xf32, #tpu.memory_space<vmem>>
        %dma_start3A_491 = arith.constant 0 : i32
        %dma_start3A_492 = tpu.memref_slice %arg3[%dma_start3A_491, %mul3A_485] : memref<64x1000000xf32, #tpu.memory_space<hbm>> -> memref<64x128xf32, #tpu.memory_space<hbm>>
        %dma_start3A_493 = arith.constant 0 : i32
        %dma_start3A_494 = arith.constant 0 : i32
        %dma_start3A_495 = tpu.memref_slice %arg6[%dma_start3A_486, %dma_start3A_493, %dma_start3A_494] : memref<8x64x128xf32, #tpu.memory_space<vmem>> -> memref<1x64x128xf32, #tpu.memory_space<vmem>>
        %dma_start3A_496 = tpu.memref_squeeze %dma_start3A_495 : memref<1x64x128xf32, #tpu.memory_space<vmem>> -> memref<64x128xf32, #tpu.memory_space<vmem>>
        %dma_start3A_497 = arith.constant 0 : i32
        %dma_start3A_498 = tpu.memref_slice %arg3[%dma_start3A_497, %mul3A_485] : memref<64x1000000xf32, #tpu.memory_space<hbm>> -> memref<64x128xf32, #tpu.memory_space<hbm>>
        tpu.enqueue_dma source(%dma_start3A_498 : memref<64x128xf32, #tpu.memory_space<hbm>>) target(%dma_start3A_496 : memref<64x128xf32, #tpu.memory_space<vmem>>) target_semaphore(%arg9 : memref<!tpu.dma_semaphore, #tpu.memory_space<semaphore_mem>>)
        %slice3A_499 = vector.extract_strided_slice %get3A_460 {offsets = [2], sizes = [1], strides = [1]} : vector<16xi32> to vector<1xi32>
        %squeeze3A_500 = vector.extract %slice3A_499[0] : i32 from vector<1xi32>
        %shift_right_logical3A_501 = arith.constant 7 : i32
        %shift_right_logical3A_502 = arith.shrui %squeeze3A_500, %shift_right_logical3A_501 : i32
        %mul3A_503 = arith.constant 128 : i32
        %mul3A_504 = arith.muli %shift_right_logical3A_502, %mul3A_503 : i32
        %dma_start3A_505 = arith.constant 2 : i32
        %dma_start3A_506 = arith.constant 0 : i32
        %dma_start3A_507 = arith.constant 0 : i32
        %dma_start3A_508 = tpu.memref_slice %arg6[%dma_start3A_505, %dma_start3A_506, %dma_start3A_507] : memref<8x64x128xf32, #tpu.memory_space<vmem>> -> memref<1x64x128xf32, #tpu.memory_space<vmem>>
        %dma_start3A_509 = tpu.memref_squeeze %dma_start3A_508 : memref<1x64x128xf32, #tpu.memory_space<vmem>> -> memref<64x128xf32, #tpu.memory_space<vmem>>
        %dma_start3A_510 = arith.constant 0 : i32
        %dma_start3A_511 = tpu.memref_slice %arg3[%dma_start3A_510, %mul3A_504] : memref<64x1000000xf32, #tpu.memory_space<hbm>> -> memref<64x128xf32, #tpu.memory_space<hbm>>
        %dma_start3A_512 = arith.constant 0 : i32
        %dma_start3A_513 = arith.constant 0 : i32
        %dma_start3A_514 = tpu.memref_slice %arg6[%dma_start3A_505, %dma_start3A_512, %dma_start3A_513] : memref<8x64x128xf32, #tpu.memory_space<vmem>> -> memref<1x64x128xf32, #tpu.memory_space<vmem>>
        %dma_start3A_515 = tpu.memref_squeeze %dma_start3A_514 : memref<1x64x128xf32, #tpu.memory_space<vmem>> -> memref<64x128xf32, #tpu.memory_space<vmem>>
        %dma_start3A_516 = arith.constant 0 : i32
        %dma_start3A_517 = tpu.memref_slice %arg3[%dma_start3A_516, %mul3A_504] : memref<64x1000000xf32, #tpu.memory_space<hbm>> -> memref<64x128xf32, #tpu.memory_space<hbm>>
        tpu.enqueue_dma source(%dma_start3A_517 : memref<64x128xf32, #tpu.memory_space<hbm>>) target(%dma_start3A_515 : memref<64x128xf32, #tpu.memory_space<vmem>>) target_semaphore(%arg9 : memref<!tpu.dma_semaphore, #tpu.memory_space<semaphore_mem>>)
        %slice3A_518 = vector.extract_strided_slice %get3A_460 {offsets = [3], sizes = [1], strides = [1]} : vector<16xi32> to vector<1xi32>
        %squeeze3A_519 = vector.extract %slice3A_518[0] : i32 from vector<1xi32>
        %shift_right_logical3A_520 = arith.constant 7 : i32
        %shift_right_logical3A_521 = arith.shrui %squeeze3A_519, %shift_right_logical3A_520 : i32
        %mul3A_522 = arith.constant 128 : i32
        %mul3A_523 = arith.muli %shift_right_logical3A_521, %mul3A_522 : i32
        %dma_start3A_524 = arith.constant 3 : i32
        %dma_start3A_525 = arith.constant 0 : i32
        %dma_start3A_526 = arith.constant 0 : i32
        %dma_start3A_527 = tpu.memref_slice %arg6[%dma_start3A_524, %dma_start3A_525, %dma_start3A_526] : memref<8x64x128xf32, #tpu.memory_space<vmem>> -> memref<1x64x128xf32, #tpu.memory_space<vmem>>
        %dma_start3A_528 = tpu.memref_squeeze %dma_start3A_527 : memref<1x64x128xf32, #tpu.memory_space<vmem>> -> memref<64x128xf32, #tpu.memory_space<vmem>>
        %dma_start3A_529 = arith.constant 0 : i32
        %dma_start3A_530 = tpu.memref_slice %arg3[%dma_start3A_529, %mul3A_523] : memref<64x1000000xf32, #tpu.memory_space<hbm>> -> memref<64x128xf32, #tpu.memory_space<hbm>>
        %dma_start3A_531 = arith.constant 0 : i32
        %dma_start3A_532 = arith.constant 0 : i32
        %dma_start3A_533 = tpu.memref_slice %arg6[%dma_start3A_524, %dma_start3A_531, %dma_start3A_532] : memref<8x64x128xf32, #tpu.memory_space<vmem>> -> memref<1x64x128xf32, #tpu.memory_space<vmem>>
        %dma_start3A_534 = tpu.memref_squeeze %dma_start3A_533 : memref<1x64x128xf32, #tpu.memory_space<vmem>> -> memref<64x128xf32, #tpu.memory_space<vmem>>
        %dma_start3A_535 = arith.constant 0 : i32
        %dma_start3A_536 = tpu.memref_slice %arg3[%dma_start3A_535, %mul3A_523] : memref<64x1000000xf32, #tpu.memory_space<hbm>> -> memref<64x128xf32, #tpu.memory_space<hbm>>
        tpu.enqueue_dma source(%dma_start3A_536 : memref<64x128xf32, #tpu.memory_space<hbm>>) target(%dma_start3A_534 : memref<64x128xf32, #tpu.memory_space<vmem>>) target_semaphore(%arg9 : memref<!tpu.dma_semaphore, #tpu.memory_space<semaphore_mem>>)
        %slice3A_537 = vector.extract_strided_slice %get3A_460 {offsets = [4], sizes = [1], strides = [1]} : vector<16xi32> to vector<1xi32>
        %squeeze3A_538 = vector.extract %slice3A_537[0] : i32 from vector<1xi32>
        %shift_right_logical3A_539 = arith.constant 7 : i32
        %shift_right_logical3A_540 = arith.shrui %squeeze3A_538, %shift_right_logical3A_539 : i32
        %mul3A_541 = arith.constant 128 : i32
        %mul3A_542 = arith.muli %shift_right_logical3A_540, %mul3A_541 : i32
        %dma_start3A_543 = arith.constant 4 : i32
        %dma_start3A_544 = arith.constant 0 : i32
        %dma_start3A_545 = arith.constant 0 : i32
        %dma_start3A_546 = tpu.memref_slice %arg6[%dma_start3A_543, %dma_start3A_544, %dma_start3A_545] : memref<8x64x128xf32, #tpu.memory_space<vmem>> -> memref<1x64x128xf32, #tpu.memory_space<vmem>>
        %dma_start3A_547 = tpu.memref_squeeze %dma_start3A_546 : memref<1x64x128xf32, #tpu.memory_space<vmem>> -> memref<64x128xf32, #tpu.memory_space<vmem>>
        %dma_start3A_548 = arith.constant 0 : i32
        %dma_start3A_549 = tpu.memref_slice %arg3[%dma_start3A_548, %mul3A_542] : memref<64x1000000xf32, #tpu.memory_space<hbm>> -> memref<64x128xf32, #tpu.memory_space<hbm>>
        %dma_start3A_550 = arith.constant 0 : i32
        %dma_start3A_551 = arith.constant 0 : i32
        %dma_start3A_552 = tpu.memref_slice %arg6[%dma_start3A_543, %dma_start3A_550, %dma_start3A_551] : memref<8x64x128xf32, #tpu.memory_space<vmem>> -> memref<1x64x128xf32, #tpu.memory_space<vmem>>
        %dma_start3A_553 = tpu.memref_squeeze %dma_start3A_552 : memref<1x64x128xf32, #tpu.memory_space<vmem>> -> memref<64x128xf32, #tpu.memory_space<vmem>>
        %dma_start3A_554 = arith.constant 0 : i32
        %dma_start3A_555 = tpu.memref_slice %arg3[%dma_start3A_554, %mul3A_542] : memref<64x1000000xf32, #tpu.memory_space<hbm>> -> memref<64x128xf32, #tpu.memory_space<hbm>>
        tpu.enqueue_dma source(%dma_start3A_555 : memref<64x128xf32, #tpu.memory_space<hbm>>) target(%dma_start3A_553 : memref<64x128xf32, #tpu.memory_space<vmem>>) target_semaphore(%arg9 : memref<!tpu.dma_semaphore, #tpu.memory_space<semaphore_mem>>)
        %slice3A_556 = vector.extract_strided_slice %get3A_460 {offsets = [5], sizes = [1], strides = [1]} : vector<16xi32> to vector<1xi32>
        %squeeze3A_557 = vector.extract %slice3A_556[0] : i32 from vector<1xi32>
        %shift_right_logical3A_558 = arith.constant 7 : i32
        %shift_right_logical3A_559 = arith.shrui %squeeze3A_557, %shift_right_logical3A_558 : i32
        %mul3A_560 = arith.constant 128 : i32
        %mul3A_561 = arith.muli %shift_right_logical3A_559, %mul3A_560 : i32
        %dma_start3A_562 = arith.constant 5 : i32
        %dma_start3A_563 = arith.constant 0 : i32
        %dma_start3A_564 = arith.constant 0 : i32
        %dma_start3A_565 = tpu.memref_slice %arg6[%dma_start3A_562, %dma_start3A_563, %dma_start3A_564] : memref<8x64x128xf32, #tpu.memory_space<vmem>> -> memref<1x64x128xf32, #tpu.memory_space<vmem>>
        %dma_start3A_566 = tpu.memref_squeeze %dma_start3A_565 : memref<1x64x128xf32, #tpu.memory_space<vmem>> -> memref<64x128xf32, #tpu.memory_space<vmem>>
        %dma_start3A_567 = arith.constant 0 : i32
        %dma_start3A_568 = tpu.memref_slice %arg3[%dma_start3A_567, %mul3A_561] : memref<64x1000000xf32, #tpu.memory_space<hbm>> -> memref<64x128xf32, #tpu.memory_space<hbm>>
        %dma_start3A_569 = arith.constant 0 : i32
        %dma_start3A_570 = arith.constant 0 : i32
        %dma_start3A_571 = tpu.memref_slice %arg6[%dma_start3A_562, %dma_start3A_569, %dma_start3A_570] : memref<8x64x128xf32, #tpu.memory_space<vmem>> -> memref<1x64x128xf32, #tpu.memory_space<vmem>>
        %dma_start3A_572 = tpu.memref_squeeze %dma_start3A_571 : memref<1x64x128xf32, #tpu.memory_space<vmem>> -> memref<64x128xf32, #tpu.memory_space<vmem>>
        %dma_start3A_573 = arith.constant 0 : i32
        %dma_start3A_574 = tpu.memref_slice %arg3[%dma_start3A_573, %mul3A_561] : memref<64x1000000xf32, #tpu.memory_space<hbm>> -> memref<64x128xf32, #tpu.memory_space<hbm>>
        tpu.enqueue_dma source(%dma_start3A_574 : memref<64x128xf32, #tpu.memory_space<hbm>>) target(%dma_start3A_572 : memref<64x128xf32, #tpu.memory_space<vmem>>) target_semaphore(%arg9 : memref<!tpu.dma_semaphore, #tpu.memory_space<semaphore_mem>>)
        %slice3A_575 = vector.extract_strided_slice %get3A_460 {offsets = [6], sizes = [1], strides = [1]} : vector<16xi32> to vector<1xi32>
        %squeeze3A_576 = vector.extract %slice3A_575[0] : i32 from vector<1xi32>
        %shift_right_logical3A_577 = arith.constant 7 : i32
        %shift_right_logical3A_578 = arith.shrui %squeeze3A_576, %shift_right_logical3A_577 : i32
        %mul3A_579 = arith.constant 128 : i32
        %mul3A_580 = arith.muli %shift_right_logical3A_578, %mul3A_579 : i32
        %dma_start3A_581 = arith.constant 6 : i32
        %dma_start3A_582 = arith.constant 0 : i32
        %dma_start3A_583 = arith.constant 0 : i32
        %dma_start3A_584 = tpu.memref_slice %arg6[%dma_start3A_581, %dma_start3A_582, %dma_start3A_583] : memref<8x64x128xf32, #tpu.memory_space<vmem>> -> memref<1x64x128xf32, #tpu.memory_space<vmem>>
        %dma_start3A_585 = tpu.memref_squeeze %dma_start3A_584 : memref<1x64x128xf32, #tpu.memory_space<vmem>> -> memref<64x128xf32, #tpu.memory_space<vmem>>
        %dma_start3A_586 = arith.constant 0 : i32
        %dma_start3A_587 = tpu.memref_slice %arg3[%dma_start3A_586, %mul3A_580] : memref<64x1000000xf32, #tpu.memory_space<hbm>> -> memref<64x128xf32, #tpu.memory_space<hbm>>
        %dma_start3A_588 = arith.constant 0 : i32
        %dma_start3A_589 = arith.constant 0 : i32
        %dma_start3A_590 = tpu.memref_slice %arg6[%dma_start3A_581, %dma_start3A_588, %dma_start3A_589] : memref<8x64x128xf32, #tpu.memory_space<vmem>> -> memref<1x64x128xf32, #tpu.memory_space<vmem>>
        %dma_start3A_591 = tpu.memref_squeeze %dma_start3A_590 : memref<1x64x128xf32, #tpu.memory_space<vmem>> -> memref<64x128xf32, #tpu.memory_space<vmem>>
        %dma_start3A_592 = arith.constant 0 : i32
        %dma_start3A_593 = tpu.memref_slice %arg3[%dma_start3A_592, %mul3A_580] : memref<64x1000000xf32, #tpu.memory_space<hbm>> -> memref<64x128xf32, #tpu.memory_space<hbm>>
        tpu.enqueue_dma source(%dma_start3A_593 : memref<64x128xf32, #tpu.memory_space<hbm>>) target(%dma_start3A_591 : memref<64x128xf32, #tpu.memory_space<vmem>>) target_semaphore(%arg9 : memref<!tpu.dma_semaphore, #tpu.memory_space<semaphore_mem>>)
        %slice3A_594 = vector.extract_strided_slice %get3A_460 {offsets = [7], sizes = [1], strides = [1]} : vector<16xi32> to vector<1xi32>
        %squeeze3A_595 = vector.extract %slice3A_594[0] : i32 from vector<1xi32>
        %shift_right_logical3A_596 = arith.constant 7 : i32
        %shift_right_logical3A_597 = arith.shrui %squeeze3A_595, %shift_right_logical3A_596 : i32
        %mul3A_598 = arith.constant 128 : i32
        %mul3A_599 = arith.muli %shift_right_logical3A_597, %mul3A_598 : i32
        %dma_start3A_600 = arith.constant 7 : i32
        %dma_start3A_601 = arith.constant 0 : i32
        %dma_start3A_602 = arith.constant 0 : i32
        %dma_start3A_603 = tpu.memref_slice %arg6[%dma_start3A_600, %dma_start3A_601, %dma_start3A_602] : memref<8x64x128xf32, #tpu.memory_space<vmem>> -> memref<1x64x128xf32, #tpu.memory_space<vmem>>
        %dma_start3A_604 = tpu.memref_squeeze %dma_start3A_603 : memref<1x64x128xf32, #tpu.memory_space<vmem>> -> memref<64x128xf32, #tpu.memory_space<vmem>>
        %dma_start3A_605 = arith.constant 0 : i32
        %dma_start3A_606 = tpu.memref_slice %arg3[%dma_start3A_605, %mul3A_599] : memref<64x1000000xf32, #tpu.memory_space<hbm>> -> memref<64x128xf32, #tpu.memory_space<hbm>>
        %dma_start3A_607 = arith.constant 0 : i32
        %dma_start3A_608 = arith.constant 0 : i32
        %dma_start3A_609 = tpu.memref_slice %arg6[%dma_start3A_600, %dma_start3A_607, %dma_start3A_608] : memref<8x64x128xf32, #tpu.memory_space<vmem>> -> memref<1x64x128xf32, #tpu.memory_space<vmem>>
        %dma_start3A_610 = tpu.memref_squeeze %dma_start3A_609 : memref<1x64x128xf32, #tpu.memory_space<vmem>> -> memref<64x128xf32, #tpu.memory_space<vmem>>
        %dma_start3A_611 = arith.constant 0 : i32
        %dma_start3A_612 = tpu.memref_slice %arg3[%dma_start3A_611, %mul3A_599] : memref<64x1000000xf32, #tpu.memory_space<hbm>> -> memref<64x128xf32, #tpu.memory_space<hbm>>
        tpu.enqueue_dma source(%dma_start3A_612 : memref<64x128xf32, #tpu.memory_space<hbm>>) target(%dma_start3A_610 : memref<64x128xf32, #tpu.memory_space<vmem>>) target_semaphore(%arg9 : memref<!tpu.dma_semaphore, #tpu.memory_space<semaphore_mem>>)
      } else {
      }
      %swap3A_379 = arith.constant 0 : index
      %swap3A_380 = tpu.vector_load %arg8[%swap3A_379] {strides = array<i32>} : memref<16xf32, #tpu.memory_space<vmem>>, vector<16xf32>,
      tpu.vector_store %arg8[%swap3A_379], %add3A_376 {strides = array<i32>} : memref<16xf32, #tpu.memory_space<vmem>>, vector<16xf32>,
      %xor3A = arith.constant 1 : i32
      %xor3A_381 = vector.broadcast %xor3A : i32 to vector<16xi32>
      %xor3A_382 = arith.xori %iota3A, %xor3A_381 : vector<16xi32>
      %gather3A_383 = tpu.vector_load_idx %arg8[%xor3A_382] : memref<16xf32, #tpu.memory_space<vmem>>[vector<16xi32>], vector<16xf32>,
      %add3A_384 = arith.addf %add3A_376, %gather3A_383 : vector<16xf32>
      %max3A = arith.constant 1.000000e-24 : f32
      %max3A_385 = vector.broadcast %max3A : f32 to vector<16xf32>
      %max3A_386 = arith.maximumf %add3A_384, %max3A_385 : vector<16xf32>
      %bitcast3A = vector.bitcast %max3A_386 : vector<16xf32> to vector<16xi32>
      %shift_right_arithmetic3A = arith.constant 1 : i32
      %shift_right_arithmetic3A_387 = vector.broadcast %shift_right_arithmetic3A : i32 to vector<16xi32>
      %shift_right_arithmetic3A_388 = arith.shrsi %bitcast3A, %shift_right_arithmetic3A_387 : vector<16xi32>
      %sub3A = arith.constant 1597463007 : i32
      %sub3A_389 = vector.broadcast %sub3A : i32 to vector<16xi32>
      %sub3A_390 = arith.subi %sub3A_389, %shift_right_arithmetic3A_388 : vector<16xi32>
      %bitcast3A_391 = vector.bitcast %sub3A_390 : vector<16xi32> to vector<16xf32>
      %mul3A_392 = arith.constant 5.000000e-01 : f32
      %mul3A_393 = vector.broadcast %mul3A_392 : f32 to vector<16xf32>
      %mul3A_394 = arith.mulf %mul3A_393, %max3A_386 : vector<16xf32>
      %mul3A_395 = arith.mulf %mul3A_394, %bitcast3A_391 : vector<16xf32>
      %mul3A_396 = arith.mulf %mul3A_395, %bitcast3A_391 : vector<16xf32>
      %sub3A_397 = arith.constant 1.500000e+00 : f32
      %sub3A_398 = vector.broadcast %sub3A_397 : f32 to vector<16xf32>
      %sub3A_399 = arith.subf %sub3A_398, %mul3A_396 : vector<16xf32>
      %mul3A_400 = arith.mulf %bitcast3A_391, %sub3A_399 : vector<16xf32>
      %mul3A_401 = arith.constant 5.000000e-01 : f32
      %mul3A_402 = vector.broadcast %mul3A_401 : f32 to vector<16xf32>
      %mul3A_403 = arith.mulf %mul3A_402, %max3A_386 : vector<16xf32>
      %mul3A_404 = arith.mulf %mul3A_403, %mul3A_400 : vector<16xf32>
      %mul3A_405 = arith.mulf %mul3A_404, %mul3A_400 : vector<16xf32>
      %sub3A_406 = arith.constant 1.500000e+00 : f32
      %sub3A_407 = vector.broadcast %sub3A_406 : f32 to vector<16xf32>
      %sub3A_408 = arith.subf %sub3A_407, %mul3A_405 : vector<16xf32>
      %mul3A_409 = arith.mulf %mul3A_400, %sub3A_408 : vector<16xf32>
      %mul3A_410 = arith.constant 5.000000e-01 : f32
      %mul3A_411 = vector.broadcast %mul3A_410 : f32 to vector<16xf32>
      %mul3A_412 = arith.mulf %mul3A_411, %max3A_386 : vector<16xf32>
      %mul3A_413 = arith.mulf %mul3A_412, %mul3A_409 : vector<16xf32>
      %mul3A_414 = arith.mulf %mul3A_413, %mul3A_409 : vector<16xf32>
      %sub3A_415 = arith.constant 1.500000e+00 : f32
      %sub3A_416 = vector.broadcast %sub3A_415 : f32 to vector<16xf32>
      %sub3A_417 = arith.subf %sub3A_416, %mul3A_414 : vector<16xf32>
      %mul3A_418 = arith.mulf %mul3A_409, %sub3A_417 : vector<16xf32>
      %mul3A_419 = arith.constant 8 : i32
      %mul3A_420 = arith.muli %scan3A_164, %mul3A_419 : i32
      %add3A_421 = vector.broadcast %mul3A_420 : i32 to vector<16xi32>
      %add3A_422 = arith.addi %add3A_421, %shift_right_logical3A_156 : vector<16xi32>
      %mul3A_423 = arith.mulf %gather3A_188, %mul3A_418 : vector<16xf32>
      tpu.vector_store_idx %arg7[%add3A_187, %add3A_422], %mul3A_423 : memref<64x512xf32, #tpu.memory_space<vmem>>[vector<16xi32>, vector<16xi32>], vector<16xf32>,
      %mul3A_424 = arith.mulf %gather3A_194, %mul3A_418 : vector<16xf32>
      tpu.vector_store_idx %arg7[%add3A_193, %add3A_422], %mul3A_424 : memref<64x512xf32, #tpu.memory_space<vmem>>[vector<16xi32>, vector<16xi32>], vector<16xf32>,
      %mul3A_425 = arith.mulf %gather3A_200, %mul3A_418 : vector<16xf32>
      tpu.vector_store_idx %arg7[%add3A_199, %add3A_422], %mul3A_425 : memref<64x512xf32, #tpu.memory_space<vmem>>[vector<16xi32>, vector<16xi32>], vector<16xf32>,
      %mul3A_426 = arith.mulf %gather3A_206, %mul3A_418 : vector<16xf32>
      tpu.vector_store_idx %arg7[%add3A_205, %add3A_422], %mul3A_426 : memref<64x512xf32, #tpu.memory_space<vmem>>[vector<16xi32>, vector<16xi32>], vector<16xf32>,
      %mul3A_427 = arith.mulf %gather3A_212, %mul3A_418 : vector<16xf32>
      tpu.vector_store_idx %arg7[%add3A_211, %add3A_422], %mul3A_427 : memref<64x512xf32, #tpu.memory_space<vmem>>[vector<16xi32>, vector<16xi32>], vector<16xf32>,
      %mul3A_428 = arith.mulf %gather3A_218, %mul3A_418 : vector<16xf32>
      tpu.vector_store_idx %arg7[%add3A_217, %add3A_422], %mul3A_428 : memref<64x512xf32, #tpu.memory_space<vmem>>[vector<16xi32>, vector<16xi32>], vector<16xf32>,
      %mul3A_429 = arith.mulf %gather3A_224, %mul3A_418 : vector<16xf32>
      tpu.vector_store_idx %arg7[%add3A_223, %add3A_422], %mul3A_429 : memref<64x512xf32, #tpu.memory_space<vmem>>[vector<16xi32>, vector<16xi32>], vector<16xf32>,
      %mul3A_430 = arith.mulf %gather3A_230, %mul3A_418 : vector<16xf32>
      tpu.vector_store_idx %arg7[%add3A_229, %add3A_422], %mul3A_430 : memref<64x512xf32, #tpu.memory_space<vmem>>[vector<16xi32>, vector<16xi32>], vector<16xf32>,
      %mul3A_431 = arith.mulf %gather3A_236, %mul3A_418 : vector<16xf32>
      tpu.vector_store_idx %arg7[%add3A_235, %add3A_422], %mul3A_431 : memref<64x512xf32, #tpu.memory_space<vmem>>[vector<16xi32>, vector<16xi32>], vector<16xf32>,
      %mul3A_432 = arith.mulf %gather3A_242, %mul3A_418 : vector<16xf32>
      tpu.vector_store_idx %arg7[%add3A_241, %add3A_422], %mul3A_432 : memref<64x512xf32, #tpu.memory_space<vmem>>[vector<16xi32>, vector<16xi32>], vector<16xf32>,
      %mul3A_433 = arith.mulf %gather3A_248, %mul3A_418 : vector<16xf32>
      tpu.vector_store_idx %arg7[%add3A_247, %add3A_422], %mul3A_433 : memref<64x512xf32, #tpu.memory_space<vmem>>[vector<16xi32>, vector<16xi32>], vector<16xf32>,
      %mul3A_434 = arith.mulf %gather3A_254, %mul3A_418 : vector<16xf32>
      tpu.vector_store_idx %arg7[%add3A_253, %add3A_422], %mul3A_434 : memref<64x512xf32, #tpu.memory_space<vmem>>[vector<16xi32>, vector<16xi32>], vector<16xf32>,
      %mul3A_435 = arith.mulf %gather3A_260, %mul3A_418 : vector<16xf32>
      tpu.vector_store_idx %arg7[%add3A_259, %add3A_422], %mul3A_435 : memref<64x512xf32, #tpu.memory_space<vmem>>[vector<16xi32>, vector<16xi32>], vector<16xf32>,
      %mul3A_436 = arith.mulf %gather3A_266, %mul3A_418 : vector<16xf32>
      tpu.vector_store_idx %arg7[%add3A_265, %add3A_422], %mul3A_436 : memref<64x512xf32, #tpu.memory_space<vmem>>[vector<16xi32>, vector<16xi32>], vector<16xf32>,
      %mul3A_437 = arith.mulf %gather3A_272, %mul3A_418 : vector<16xf32>
      tpu.vector_store_idx %arg7[%add3A_271, %add3A_422], %mul3A_437 : memref<64x512xf32, #tpu.memory_space<vmem>>[vector<16xi32>, vector<16xi32>], vector<16xf32>,
      %mul3A_438 = arith.mulf %gather3A_278, %mul3A_418 : vector<16xf32>
      tpu.vector_store_idx %arg7[%add3A_277, %add3A_422], %mul3A_438 : memref<64x512xf32, #tpu.memory_space<vmem>>[vector<16xi32>, vector<16xi32>], vector<16xf32>,
      %mul3A_439 = arith.mulf %gather3A_284, %mul3A_418 : vector<16xf32>
      tpu.vector_store_idx %arg7[%add3A_283, %add3A_422], %mul3A_439 : memref<64x512xf32, #tpu.memory_space<vmem>>[vector<16xi32>, vector<16xi32>], vector<16xf32>,
      %mul3A_440 = arith.mulf %gather3A_290, %mul3A_418 : vector<16xf32>
      tpu.vector_store_idx %arg7[%add3A_289, %add3A_422], %mul3A_440 : memref<64x512xf32, #tpu.memory_space<vmem>>[vector<16xi32>, vector<16xi32>], vector<16xf32>,
      %mul3A_441 = arith.mulf %gather3A_296, %mul3A_418 : vector<16xf32>
      tpu.vector_store_idx %arg7[%add3A_295, %add3A_422], %mul3A_441 : memref<64x512xf32, #tpu.memory_space<vmem>>[vector<16xi32>, vector<16xi32>], vector<16xf32>,
      %mul3A_442 = arith.mulf %gather3A_302, %mul3A_418 : vector<16xf32>
      tpu.vector_store_idx %arg7[%add3A_301, %add3A_422], %mul3A_442 : memref<64x512xf32, #tpu.memory_space<vmem>>[vector<16xi32>, vector<16xi32>], vector<16xf32>,
      %mul3A_443 = arith.mulf %gather3A_308, %mul3A_418 : vector<16xf32>
      tpu.vector_store_idx %arg7[%add3A_307, %add3A_422], %mul3A_443 : memref<64x512xf32, #tpu.memory_space<vmem>>[vector<16xi32>, vector<16xi32>], vector<16xf32>,
      %mul3A_444 = arith.mulf %gather3A_314, %mul3A_418 : vector<16xf32>
      tpu.vector_store_idx %arg7[%add3A_313, %add3A_422], %mul3A_444 : memref<64x512xf32, #tpu.memory_space<vmem>>[vector<16xi32>, vector<16xi32>], vector<16xf32>,
      %mul3A_445 = arith.mulf %gather3A_320, %mul3A_418 : vector<16xf32>
      tpu.vector_store_idx %arg7[%add3A_319, %add3A_422], %mul3A_445 : memref<64x512xf32, #tpu.memory_space<vmem>>[vector<16xi32>, vector<16xi32>], vector<16xf32>,
      %mul3A_446 = arith.mulf %gather3A_326, %mul3A_418 : vector<16xf32>
      tpu.vector_store_idx %arg7[%add3A_325, %add3A_422], %mul3A_446 : memref<64x512xf32, #tpu.memory_space<vmem>>[vector<16xi32>, vector<16xi32>], vector<16xf32>,
      %mul3A_447 = arith.mulf %gather3A_332, %mul3A_418 : vector<16xf32>
      tpu.vector_store_idx %arg7[%add3A_331, %add3A_422], %mul3A_447 : memref<64x512xf32, #tpu.memory_space<vmem>>[vector<16xi32>, vector<16xi32>], vector<16xf32>,
      %mul3A_448 = arith.mulf %gather3A_338, %mul3A_418 : vector<16xf32>
      tpu.vector_store_idx %arg7[%add3A_337, %add3A_422], %mul3A_448 : memref<64x512xf32, #tpu.memory_space<vmem>>[vector<16xi32>, vector<16xi32>], vector<16xf32>,
      %mul3A_449 = arith.mulf %gather3A_344, %mul3A_418 : vector<16xf32>
      tpu.vector_store_idx %arg7[%add3A_343, %add3A_422], %mul3A_449 : memref<64x512xf32, #tpu.memory_space<vmem>>[vector<16xi32>, vector<16xi32>], vector<16xf32>,
      %mul3A_450 = arith.mulf %gather3A_350, %mul3A_418 : vector<16xf32>
      tpu.vector_store_idx %arg7[%add3A_349, %add3A_422], %mul3A_450 : memref<64x512xf32, #tpu.memory_space<vmem>>[vector<16xi32>, vector<16xi32>], vector<16xf32>,
      %mul3A_451 = arith.mulf %gather3A_356, %mul3A_418 : vector<16xf32>
      tpu.vector_store_idx %arg7[%add3A_355, %add3A_422], %mul3A_451 : memref<64x512xf32, #tpu.memory_space<vmem>>[vector<16xi32>, vector<16xi32>], vector<16xf32>,
      %mul3A_452 = arith.mulf %gather3A_362, %mul3A_418 : vector<16xf32>
      tpu.vector_store_idx %arg7[%add3A_361, %add3A_422], %mul3A_452 : memref<64x512xf32, #tpu.memory_space<vmem>>[vector<16xi32>, vector<16xi32>], vector<16xf32>,
      %mul3A_453 = arith.mulf %gather3A_368, %mul3A_418 : vector<16xf32>
      tpu.vector_store_idx %arg7[%add3A_367, %add3A_422], %mul3A_453 : memref<64x512xf32, #tpu.memory_space<vmem>>[vector<16xi32>, vector<16xi32>], vector<16xf32>,
      %mul3A_454 = arith.mulf %gather3A_374, %mul3A_418 : vector<16xf32>
      tpu.vector_store_idx %arg7[%add3A_373, %add3A_422], %mul3A_454 : memref<64x512xf32, #tpu.memory_space<vmem>>[vector<16xi32>, vector<16xi32>], vector<16xf32>,
    }
    %scan3A_163 = arith.constant 64 : i32
    "tpu.region"() ({
      %run_scoped3A = tpu.sem_alloc : memref<!tpu.dma_semaphore, #tpu.memory_space<semaphore_mem>>
      %dma_start3A_164 = arith.constant 0 : i32
      %dma_start3A_165 = tpu.memref_slice %arg4[%dma_start3A_164, %mul3A_2] : memref<64x16384xf32, #tpu.memory_space<hbm>> -> memref<64x512xf32, #tpu.memory_space<hbm>>
      %dma_start3A_166 = arith.constant 0 : i32
      %dma_start3A_167 = tpu.memref_slice %arg4[%dma_start3A_166, %mul3A_2] : memref<64x16384xf32, #tpu.memory_space<hbm>> -> memref<64x512xf32, #tpu.memory_space<hbm>>
      tpu.enqueue_dma source(%arg7 : memref<64x512xf32, #tpu.memory_space<vmem>>) target(%dma_start3A_167 : memref<64x512xf32, #tpu.memory_space<hbm>>) target_semaphore(%run_scoped3A : memref<!tpu.dma_semaphore, #tpu.memory_space<semaphore_mem>>)
      %dma_wait3A = arith.constant 0 : i32
      %dma_wait3A_168 = tpu.memref_slice %arg4[%dma_wait3A, %mul3A_2] : memref<64x16384xf32, #tpu.memory_space<hbm>> -> memref<64x512xf32, #tpu.memory_space<hbm>>
      %dma_wait3A_169 = arith.constant 0 : i32
      %dma_wait3A_170 = tpu.memref_slice %arg4[%dma_wait3A_169, %mul3A_2] : memref<64x16384xf32, #tpu.memory_space<hbm>> -> memref<64x512xf32, #tpu.memory_space<hbm>>
      tpu.wait_dma2 semaphore(%run_scoped3A : memref<!tpu.dma_semaphore, #tpu.memory_space<semaphore_mem>>) src(%arg7 : memref<64x512xf32, #tpu.memory_space<vmem>>) dst(%dma_wait3A_170 : memref<64x512xf32, #tpu.memory_space<hbm>>)
      tpu.yield
    }) : () -> ()
    return
  }
}

</mosaic_0001>

<sc_bundles>
// kernel: _pale_embedding_sc.3.cloned.1.call-start
scs
__scs_entry_jumppad:
0x0: {  	(pc) =	sbr.rel $0x88, $3  }
0x1: {  	(tag) =	ssettag $0x0;
	lr =	simm.s32 $0x1  }
0x2: {  	[smem:$0x3F9F] =	sst lr;
	_ =	strace $0xD0000000  }
0x3: {  	_ = 	snop  }
0x4: {  	_ = 	snop  }
0x5: {  	_ = 	snop  }
0x6: {  	_ = 	snop  }
0x7: {  	_ = 	snop  }
__scs_overlays_trampoline_lowered:
0x8: {  	[smem:$0x3FAE] =	sst s0  }
0x9: {  	[smem:$0x3FAF] =	sst s1  }
0xa: {  	[smem:$0x3FB0] =	sst s2  }
0xb: {  	[smem:$0x3FB1] =	sst s3  }
0xc: {  	[smem:$0x3FB2] =	sst s4  }
0xd: {  	[smem:$0x3FB3] =	sst s5  }
0xe: {  	[smem:$0x3FB4] =	sst s6  }
0xf: {  	[smem:$0x3FB5] =	sst s7  }
0x10: {  	[smem:$0x3FB6] =	sst s8  }
0x11: {  	[smem:$0x3FB7] =	sst s9;
	s0 =	simm.s32 @!p0 $0x0  }
0x12: {  	s1 =	sld [smem:$0x3F9D];
	s0 =	simm.s32 @p0 $0x1  }
0x13: {  	[smem:$0x3FB8] =	sst s0;
	s0 =	simm.s32 @!p1 $0x0  }
0x14: {  	s2 =	sld [smem:$0x3F9C];
	s0 =	simm.s32 @p1 $0x1  }
0x15: {  	[smem:$0x3FB9] =	sst s0;
	s0 =	simm.s32 @!p2 $0x0  }
0x16: {  	s3 =	sld [smem:$0x3FDB];
	s0 =	simm.s32 @p2 $0x1  }
0x17: {  	s4 =	simm.s32 $0x1BF5;
	[smem:$0x3FBB] =	sst s0  }
0x18: {  	s0 =	sld [smem:$0x3F9E];
	_ =	swait.ge [sflag:s4], $0x0  }
0x19: {  	s7 =	sld [smem:$0x3F9F]  }
0x1a: {  	s8 =	sadd.s32 $0xFFFFE003, lr  }
0x1b: {  	s9 =	sadd.s32 $0xFFFFFEF7, lr;
	s5 =	simm.s32 $0xFFFFFFFF;
	p2 =	slt.u32 s8, $0xFFFFF086  }
0x1c: {  	p1 =	slt.u32 s9, $0xF7A;
	s5 =	simm.s32 @!p2 $0x0  }
0x1d: {  	s5 =	simm.s32 @p1 $0x1;
	p0 =	seq.s32 s7, s2  }
0x1e: {  	s7 =	smul.u32 @!p0 $0xF7A, s2;
	p2 =	seq.s32 @!p0 s5, $0x0  }
0x1f: {  	s9 =	smul.u32 $0xF7A, s1;
	s8 =	simm.s32 @!p0 $0x1BF5;
	p2 =	por !p2, p0  }
0x20: {  	[sflag:s8] =	ssyncset.s32 @!p0 $0xFFFFF086;
	s6 =	sadd.s32 @!p0 s3, s7;
	s7 =	simm.s32 @!p0 $0x108  }
0x21: {  	s3 =	sadd.s32 s3, s9;
	s6 =	sadd.s32 @!p0 $0x88, s6;
	s7 =	simm.s32 @p2 $0x1082  }
0x22: {  	[simem:s7], [sflag:s8] =	dma.local @!p0 [hbm:s6], $0xF7A  }
0x23: {  	s9 =	sor.u32 $0xD0000000, s2;
	s6 =	simm.s32 $0x108;
	_ =	swait.ge @!p0 [sflag:s8], $0x0  }
0x24: {  	s3 =	sadd.s32 $0x88, s3;
	s6 =	simm.s32 @!p1 $0x1082;
	[sflag:s4] =	ssyncset.s32 $0xFFFFF086  }
0x25: {  	[simem:s6], [sflag:s4] =	dma.local [hbm:s3], $0xF7A  }
0x26: {  	[smem:$0x3F9F] =	sst s1;
	(tag) =	ssettag s2;
	_ =	strace s9  }
0x27: {  	s1 =	sld [smem:$0x3FAF]  }
0x28: {  	s2 =	sld [smem:$0x3FB0]  }
0x29: {  	s4 =	sld [smem:$0x3FB2]  }
0x2a: {  	p0 =	seq.s32 s5, $0x0;
	s5 =	sld [smem:$0x3FB3]  }
0x2b: {  	s6 =	sld [smem:$0x3FB4]  }
0x2c: {  	s7 =	sld [smem:$0x3FB5]  }
0x2d: {  	s3 =	simm.s32 $0x108;
	s8 =	sld [smem:$0x3FB6]  }
0x2e: {  	s3 =	simm.s32 @!p0 $0x1082;
	s9 =	sld [smem:$0x3FB7]  }
0x2f: {  	lr =	sadd.s32 s0, s3;
	s0 =	sld [smem:$0x3FAE]  }
0x30: {  	s3 =	sld [smem:$0x3FB1]  }
0x31: {  	[smem:$0x3FBA] =	sst s10  }
0x32: {  	s10 =	sld [smem:$0x3FB8];
	_ =	sdelay $0x3  }
0x33: {  	p0 =	seq.s32 s10, $0x1;
	s10 =	sld [smem:$0x3FBA];
	_ =	sdelay $0x3  }
0x34: {  	[smem:$0x3FBA] =	sst s10  }
0x35: {  	s10 =	sld [smem:$0x3FB9];
	_ =	sdelay $0x3  }
0x36: {  	p1 =	seq.s32 s10, $0x1;
	s10 =	sld [smem:$0x3FBA];
	_ =	sdelay $0x3  }
0x37: {  	[smem:$0x3FBA] =	sst s10  }
0x38: {  	s10 =	sld [smem:$0x3FBB]  }
0x39: {  	_ = 	snop;
	(pc) =	sbr.ind lr, $3  }
0x3a: {  	_ = 	snop  }
0x3b: {  	_ = 	snop  }
0x3c: {  	p2 =	seq.s32 s10, $0x1;
	s10 =	sld [smem:$0x3FBA]  }
0x3d: {  	_ =	shalt  }
0x3e: {  	_ =	shalt  }
0x3f: {  	_ =	shalt  }
0x40: {  	_ =	shalt  }
0x41: {  	_ =	shalt  }
0x42: {  	_ =	shalt  }
0x43: {  	_ =	shalt  }
0x44: {  	_ =	shalt  }
0x45: {  	_ =	shalt  }
0x46: {  	_ =	shalt  }
0x47: {  	_ =	shalt  }
0x48: {  	_ =	shalt  }
0x49: {  	_ =	shalt  }
0x4a: {  	_ =	shalt  }
0x4b: {  	_ =	shalt  }
0x4c: {  	_ =	shalt  }
0x4d: {  	_ =	shalt  }
0x4e: {  	_ =	shalt  }
0x4f: {  	_ =	shalt  }
0x50: {  	_ =	shalt  }
0x51: {  	_ =	shalt  }
0x52: {  	_ =	shalt  }
0x53: {  	_ =	shalt  }
0x54: {  	_ =	shalt  }
0x55: {  	_ =	shalt  }
0x56: {  	_ =	shalt  }
0x57: {  	_ =	shalt  }
0x58: {  	_ =	shalt  }
0x59: {  	_ =	shalt  }
0x5a: {  	_ =	shalt  }
0x5b: {  	_ =	shalt  }
0x5c: {  	_ =	shalt  }
0x5d: {  	_ =	shalt  }
0x5e: {  	_ =	shalt  }
0x5f: {  	_ =	shalt  }
0x60: {  	_ =	shalt  }
0x61: {  	_ =	shalt  }
0x62: {  	_ =	shalt  }
0x63: {  	_ =	shalt  }
0x64: {  	_ =	shalt  }
0x65: {  	_ =	shalt  }
0x66: {  	_ =	shalt  }
0x67: {  	_ =	shalt  }
0x68: {  	_ =	shalt  }
0x69: {  	_ =	shalt  }
0x6a: {  	_ =	shalt  }
0x6b: {  	_ =	shalt  }
0x6c: {  	_ =	shalt  }
0x6d: {  	_ =	shalt  }
0x6e: {  	_ =	shalt  }
0x6f: {  	_ =	shalt  }
0x70: {  	_ =	shalt  }
0x71: {  	_ =	shalt  }
0x72: {  	_ =	shalt  }
0x73: {  	_ =	shalt  }
0x74: {  	_ =	shalt  }
0x75: {  	_ =	shalt  }
0x76: {  	_ =	shalt  }
0x77: {  	_ =	shalt  }
0x78: {  	_ =	shalt  }
0x79: {  	_ =	shalt  }
0x7a: {  	_ =	shalt  }
0x7b: {  	_ =	shalt  }
0x7c: {  	_ =	shalt  }
0x7d: {  	_ =	shalt  }
0x7e: {  	_ =	shalt  }
0x7f: {  	_ =	shalt  }
0x80: {  	_ =	shalt  }
0x81: {  	_ =	shalt  }
0x82: {  	_ =	shalt  }
0x83: {  	_ =	shalt  }
0x84: {  	_ =	shalt  }
0x85: {  	_ =	shalt  }
0x86: {  	_ =	shalt  }
0x87: {  	_ =	shalt  }
.Lfunc_end0:
.L_simem_size_0:
called_computation_lowered:
.L_overlay_start_0:
0x88: {  	s2 =	sld [smem:$0x3FD9]  }
0x89: {  	s3 =	sld [smem:$0x3FFE];
	_ =	sdelay $0x1  }
0x8a: {  	s1 =	srdreg.scid  }
0x8b: {  	s0 =	sand.u32 $0x1, s1  }
0x8c: {  	s18 =	sshll.u32 s0, $0xA;
	s2 =	sadd.s32 s3, s2  }
0x8d: {  	s2 =	sadd.s32 s2, s18  }
0x8e: {  	[smem:$0x3FC6] =	sst s2  }
0x8f: {  	_ = 	snop  }
0x90: {  	s2 =	sld [smem:$0x3FC9]  }
0x91: {  	s19 =	sld [smem:$0x3FC8]  }
0x92: {  	s4 =	sld [smem:$0x3FD0];
	(tm) =	ssettm $0x1  }
0x93: {  	s5 =	sld [smem:$0x3FFB];
	_ =	sdelay $0x3  }
0x94: {  	_ =	strace s5  }
0x95: {  	s5 =	sld [smem:$0x3FFC];
	_ =	sdelay $0x3  }
0x96: {  	_ =	strace s5  }
0x97: {  	s5 =	sld [smem:$0x3FFD];
	_ =	sdelay $0x3  }
0x98: {  	_ =	strace s5  }
0x99: {  	_ =	strace $0x8FFFFFFF  }
0x9a: {  	s20 =	sld [smem:$0x3FDB];
	_ =	sdelay $0x1  }
0x9b: {  	s6 =	simm.s32 $_scs_section_size  }
0x9c: {  	s7 =	simm.s32 $_size__tile_overlayer_lowered;
	s8 =	simm.s32 $_tile_overlayer_lowered  }
0x9d: {  	s23 =	simm.s32 $0x1BFF;
	s22 =	sshll.u32 s8, $0x1;
	s5 =	sadd.s32 s6, s20  }
0x9e: {  	s9 =	simm.s32 $0x0;
	s21 =	sshll.u32 s7, $0x1;
	s7 =	sadd.s32 s22, s5  }
0x9f: {  	[timem:s9], [sflag:s23] =	dma.local [hbm:s7], s21  }
0xa0: {  	_ =	swait.ge [sflag:s23], s21  }
0xa1: {  	s6 =	ssub.s32 $0x0, s21;
	[sflag:s23] =	ssyncset.done $0x0  }
0xa2: {  	[sflag:s23] =	ssyncadd.s32 s6;
	_ =	sdelay $0x1  }
0xa3: {  	s24 =	simm.s32 $0x1B8B  }
0xa4: {  	_ =	swait.ge [sflag:s24], $0x1  }
0xa5: {  	[sflag:s24] =	ssyncset.done $0x0  }
0xa6: {  	s25 =	simm.s32 $0x1B8E;
	[sflag:s24] =	ssyncadd.s32 $0xFFFFFFFF  }
0xa7: {  	s26 =	simm.s32 $execute0_lowered;
	[smem:$0x3FD2] =	sst s25  }
0xa8: {  	s6 =	sshll.u32 s26, $0x1;
	_ =	strace $0x80000046;
	[dreg:$0x1] =	wrdreg $0xFFFFFFFF  }
0xa9: {  	s28 =	simm.s32 $_size_execute0_lowered;
	s5 =	sadd.s32 s5, s6;
	[dreg:$0x0] =	wrdreg $0x0  }
0xaa: {  	s6 =	sshll.u32 s28, $0x1;
	[dreg:$0x2] =	wrdreg s5  }
0xab: {  	[dreg:$0x3] =	wrdreg s6  }
0xac: {  	[dreg:$0x4] =	wrdreg $0xC0  }
0xad: {  	_ =	task [dreg:s9], $0x5FFFF  }
0xae: {  	[dreg:$0x1] =	wrdreg $0xFFFFFFFF  }
0xaf: {  	[dreg:$0x0] =	wrdreg $0x60  }
0xb0: {  	[dreg:$0x2] =	wrdreg s2  }
0xb1: {  	[dreg:$0x3] =	wrdreg s19  }
0xb2: {  	[dreg:$0x4] =	wrdreg s4  }
0xb3: {  	[dreg:$0x5] =	wrdreg $0x9  }
0xb4: {  	_ =	task.clear_ibuf [dreg:s9], $0x6FFFF;
	_ =	strace $0x90000046  }
0xb5: {  	s29 =	simm.s32 $0x9;
	_ =	strace $0x80000048  }
0xb6: {  	_ =	swait.ge [sflag:s29], $0x1  }
0xb7: {  	[sflag:s29] =	ssyncadd.s32 $0xFFFFFFFF  }
0xb8: {  	_ =	strace $0x90000048  }
0xb9: {  	_ =	sfence  }
0xba: {  	s30 =	sld [smem:$0x0];
	_ =	sdelay $0x2  }
0xbb: {  	s31 =	sshll.u32 s1, $0xD;
	s1 =	sshrl.u32 s1, $0x2  }
0xbc: {  	s3 =	sand.u32 $0x4000, s31;
	s1 =	sadd.s32 s1, s30  }
0xbd: {  	s0 =	sor.u32 s3, s0;
	s1 =	sshll.u32 s1, $0x11  }
0xbe: {  	s0 =	sor.u32 s1, s0  }
0xbf: {  	s0 =	sadd.s32 $0x8F2B, s0  }
0xc0: {  	[sflag:s0] =	ssyncadd.remote.s32 $0x1  }
0xc1: {  	_ =	sfence.sel $0xFFFF  }
0xc2: {  	[dreg:$0x0] =	wrdreg $0xFFFFFFFF;
	(pc) =	sbr.abs _section_cstart, $3  }
0xc3: {  	[dreg:$0x1] =	wrdreg $0xFFFFFFFF  }
0xc4: {  	_ =	task.clear_ibuf [dreg:s9], $0x2FFFF;
	_ =	strace $0x9FFFFFFF  }
0xc5: {  	(tm) =	ssettm $0x7FFFFFFF  }
tec
execute0_lowered:
.L_overlay_start_1:
0x0: {  	(tag) =	ssettag $0x1  }
0x1: {  	v0 =	vimm.s32 $0xE080;
	vm12 =	vcmask $0x300;
	vm8 =	vcmask $0x704  }
0x2: {  	vm9 =	vcmask $0xB08;
	vm10 =	vcmask $0xF0C;
	vm11 =	vcmask $0x1310  }
0x3: {  	vm5 =	vcmask $0x1714;
	v2 =	vimm.s32 $0xE180;
	vm6 =	vcmask $0x1B18  }
0x4: {  	vm13 =	vcmask $0x1F1C;
	vm14 =	vcmask $0x2320;
	vm4 =	vcmask $0x2724  }
0x5: {  	vm7 =	vcmask $0x2B28;
	vm3 =	vcmask $0x2F2C;
	vm2 =	vcmask $0x3330  }
0x6: {  	vm1 =	vcmask $0x3734;
	vm0 =	vcmask $0x3B38;
	v21 =	vimm.s32 $0xE280  }
0x7: {  	v3 =	vimm.s32 $0xE380;
	v24 =	vimm.s32 $0xE480;
	v28 =	vimm.s32 $0xE580  }
0x8: {  	v29 =	vimm.s32 $0xE680;
	v32 =	vimm.s32 $0xE780;
	v36 =	vimm.s32 $0xE880  }
0x9: {  	v37 =	vimm.s32 $0xE980;
	v41 =	vimm.s32 $0xEA80;
	v51 =	vimm.s32 $0xEB80  }
0xa: {  	v52 =	vimm.s32 $0xEC80;
	v55 =	vimm.s32 $0xED80;
	v59 =	vimm.s32 $0xEE80  }
0xb: {  	v60 =	vimm.s32 $0xEF80;
	v63 =	vimm.s32 $0xF080;
	v8 =	vimm.s32 $0xF180  }
0xc: {  	v9 =	vimm.s32 $0xF280;
	v12 =	vimm.s32 $0xF380;
	v16 =	vimm.s32 $0xF480  }
0xd: {  	v17 =	vimm.s32 $0xF580;
	v0 =	vsel vm12, $0x0, v0;
	v2 =	vsel vm12, $0x100, v2  }
0xe: {  	v3 =	vsel vm12, $0x300, v3;
	v1 =	vsel vm8, $0x80, v0;
	v0 =	vlaneseq.u32  }
0xf: {  	v2 =	vsel vm8, $0x180, v2;
	v3 =	vsel vm8, $0x380, v3;
	v1 =	vsel vm9, $0x2000, v1  }
0x10: {  	v39 =	vshrl.u32 v0, $0x1;
	v2 =	vsel vm9, $0x2100, v2;
	v3 =	vsel vm9, $0x2300, v3  }
0x11: {  	v0 =	vand.u32 $0x1, v0;
	v1 =	vsel vm10, $0x2080, v1;
	v2 =	vsel vm10, $0x2180, v2  }
0x12: {  	v23 =	vsel vm10, $0x2380, v3;
	v3 =	vsel vm12, $0x400, v24;
	v24 =	vimm.s32 $0xF780  }
0x13: {  	v1 =	vsel vm11, $0x4000, v1;
	v2 =	vsel vm11, $0x4100, v2;
	v3 =	vsel vm8, $0x480, v3  }
0x14: {  	v1 =	vsel vm5, $0x4080, v1;
	v2 =	vsel vm5, $0x4180, v2;
	v3 =	vsel vm9, $0x2400, v3  }
0x15: {  	v1 =	vsel vm6, $0x6000, v1;
	v2 =	vsel vm6, $0x6100, v2;
	v3 =	vsel vm10, $0x2480, v3  }
0x16: {  	v1 =	vsel vm13, $0x6080, v1;
	v2 =	vsel vm13, $0x6180, v2;
	v3 =	vsel vm11, $0x4400, v3  }
0x17: {  	v1 =	vsel vm14, $0x8000, v1;
	v2 =	vsel vm14, $0x8100, v2;
	v3 =	vsel vm5, $0x4480, v3  }
0x18: {  	v1 =	vsel vm4, $0x8080, v1;
	v20 =	vsel vm4, $0x8180, v2;
	v2 =	vsel vm12, $0x200, v21  }
0x19: {  	v3 =	vsel vm6, $0x6400, v3;
	v1 =	vsel vm7, $0xA000, v1;
	v2 =	vsel vm8, $0x280, v2  }
0x1a: {  	v3 =	vsel vm13, $0x6480, v3;
	v1 =	vsel vm3, $0xA080, v1;
	v2 =	vsel vm9, $0x2200, v2  }
0x1b: {  	v26 =	vsel vm14, $0x8400, v3;
	v3 =	vsel vm12, $0x600, v29;
	v1 =	vsel vm2, $0xC000, v1  }
0x1c: {  	v2 =	vsel vm10, $0x2280, v2;
	v27 =	vsel vm4, $0x8480, v26;
	v3 =	vsel vm8, $0x680, v3  }
0x1d: {  	v1 =	vsel vm1, $0xC080, v1;
	v22 =	vsel vm11, $0x4200, v2;
	v2 =	vsel vm11, $0x4300, v23  }
0x1e: {  	v3 =	vsel vm9, $0x2600, v3;
	v1 =	vsel vm0, $0xE000, v1;
	v2 =	vsel vm5, $0x4380, v2  }
0x1f: {  	v31 =	vsel vm10, $0x2680, v3;
	v3 =	vsel vm12, $0x700, v32;
	v32 =	vimm.s32 $0xFA80  }
0x20: {  	[tilespmem:$0x1FD50] =	vst v1;
	v1 =	vsel vm7, $0xA100, v20;
	v2 =	vsel vm6, $0x6300, v2;
	v3 =	vsel vm8, $0x780, v3  }
0x21: {  	v20 =	vimm.s32 $0xF680;
	v1 =	vsel vm3, $0xA180, v1;
	v2 =	vsel vm13, $0x6380, v2  }
0x22: {  	v3 =	vsel vm9, $0x2700, v3;
	v1 =	vsel vm2, $0xC100, v1;
	v2 =	vsel vm14, $0x8300, v2  }
0x23: {  	v3 =	vsel vm10, $0x2780, v3;
	v1 =	vsel vm1, $0xC180, v1;
	v2 =	vsel vm4, $0x8380, v2  }
0x24: {  	v3 =	vsel vm11, $0x4700, v3;
	v1 =	vsel vm0, $0xE100, v1;
	v2 =	vsel vm7, $0xA300, v2  }
0x25: {  	v3 =	vsel vm5, $0x4780, v3;
	[tilespmem:$0x1FD60] =	vst v1;
	v1 =	vsel vm5, $0x4280, v22;
	v2 =	vsel vm3, $0xA380, v2  }
0x26: {  	v3 =	vsel vm6, $0x6700, v3;
	v1 =	vsel vm6, $0x6200, v1;
	v2 =	vsel vm2, $0xC300, v2  }
0x27: {  	v3 =	vsel vm13, $0x6780, v3;
	v1 =	vsel vm13, $0x6280, v1;
	v25 =	vsel vm1, $0xC380, v2  }
0x28: {  	v2 =	vsel vm12, $0x500, v28;
	v34 =	vsel vm14, $0x8700, v3;
	v3 =	vsel vm12, $0x900, v37  }
0x29: {  	v28 =	vimm.s32 $0xF980;
	v1 =	vsel vm14, $0x8200, v1;
	v2 =	vsel vm8, $0x580, v2  }
0x2a: {  	v35 =	vsel vm4, $0x8780, v34;
	v3 =	vsel vm8, $0x980, v3;
	v1 =	vsel vm4, $0x8280, v1  }
0x2b: {  	v2 =	vsel vm9, $0x2500, v2;
	v3 =	vsel vm9, $0x2900, v3;
	v1 =	vsel vm7, $0xA200, v1  }
0x2c: {  	v2 =	vsel vm10, $0x2580, v2;
	v40 =	vsel vm10, $0x2980, v3;
	v3 =	vsel vm12, $0xA00, v41  }
0x2d: {  	v1 =	vsel vm3, $0xA280, v1;
	v30 =	vsel vm11, $0x4500, v2;
	v2 =	vsel vm11, $0x4600, v31  }
0x2e: {  	v3 =	vsel vm8, $0xA80, v3;
	v1 =	vsel vm2, $0xC200, v1;
	v2 =	vsel vm5, $0x4680, v2  }
0x2f: {  	v3 =	vsel vm9, $0x2A00, v3;
	v1 =	vsel vm1, $0xC280, v1;
	v2 =	vsel vm6, $0x6600, v2  }
0x30: {  	v3 =	vsel vm10, $0x2A80, v3;
	v42 =	vsel vm0, $0xE200, v1;
	v1 =	vsel vm0, $0xE300, v25  }
0x31: {  	v2 =	vsel vm13, $0x6680, v2;
	v3 =	vsel vm11, $0x4A00, v3;
	v25 =	vimm.s32 $0xF880  }
0x32: {  	[tilespmem:$0x1FD70] =	vst v1;
	v1 =	vsel vm7, $0xA400, v27;
	v2 =	vsel vm14, $0x8600, v2;
	v3 =	vsel vm5, $0x4A80, v3  }
0x33: {  	v1 =	vsel vm3, $0xA480, v1;
	v2 =	vsel vm4, $0x8680, v2;
	v3 =	vsel vm6, $0x6A00, v3  }
0x34: {  	v1 =	vsel vm2, $0xC400, v1;
	v2 =	vsel vm7, $0xA600, v2;
	v3 =	vsel vm13, $0x6A80, v3  }
0x35: {  	v1 =	vsel vm1, $0xC480, v1;
	v2 =	vsel vm3, $0xA680, v2;
	v47 =	vsel vm14, $0x8A00, v3  }
0x36: {  	v3 =	vsel vm12, $0xC00, v52;
	v44 =	vsel vm0, $0xE400, v1;
	v1 =	vsel vm5, $0x4580, v30  }
0x37: {  	v2 =	vsel vm2, $0xC600, v2;
	v50 =	vsel vm4, $0x8A80, v47;
	v3 =	vsel vm8, $0xC80, v3  }
0x38: {  	v1 =	vsel vm6, $0x6500, v1;
	v33 =	vsel vm1, $0xC680, v2;
	v2 =	vsel vm12, $0x800, v36  }
0x39: {  	v3 =	vsel vm9, $0x2C00, v3;
	v36 =	vimm.s32 $0xFC80;
	v1 =	vsel vm13, $0x6580, v1  }
0x3a: {  	v43 =	vsel vm0, $0xE600, v33;
	v2 =	vsel vm8, $0x880, v2;
	v1 =	vsel vm14, $0x8500, v1  }
0x3b: {  	v54 =	vsel vm10, $0x2C80, v3;
	v3 =	vsel vm12, $0xD00, v55;
	v1 =	vsel vm4, $0x8580, v1  }
0x3c: {  	v33 =	vimm.s32 $0xFB80;
	v55 =	vimm.s32 $0xFD80;
	v1 =	vsel vm7, $0xA500, v1  }
0x3d: {  	v2 =	vsel vm9, $0x2800, v2;
	v3 =	vsel vm8, $0xD80, v3;
	v1 =	vsel vm3, $0xA580, v1  }
0x3e: {  	v2 =	vsel vm10, $0x2880, v2;
	v3 =	vsel vm9, $0x2D00, v3;
	v1 =	vsel vm2, $0xC500, v1  }
0x3f: {  	v38 =	vsel vm11, $0x4800, v2;
	v2 =	vsel vm11, $0x4900, v40;
	v1 =	vsel vm1, $0xC580, v1  }
0x40: {  	v3 =	vsel vm10, $0x2D80, v3;
	v45 =	vsel vm0, $0xE500, v1;
	v1 =	vsel vm7, $0xA700, v35  }
0x41: {  	v2 =	vsel vm5, $0x4980, v2;
	v3 =	vsel vm11, $0x4D00, v3;
	v1 =	vsel vm3, $0xA780, v1  }
0x42: {  	v2 =	vsel vm6, $0x6900, v2;
	v3 =	vsel vm5, $0x4D80, v3;
	v1 =	vsel vm2, $0xC700, v1  }
0x43: {  	v2 =	vsel vm13, $0x6980, v2;
	v3 =	vsel vm6, $0x6D00, v3;
	v1 =	vsel vm1, $0xC780, v1  }
0x44: {  	v2 =	vsel vm14, $0x8900, v2;
	v3 =	vsel vm13, $0x6D80, v3;
	v1 =	vsel vm0, $0xE700, v1  }
0x45: {  	v2 =	vsel vm4, $0x8980, v2;
	v57 =	vsel vm14, $0x8D00, v3;
	[tilespmem:$0x1FD80] =	vst v1;
	v1 =	vsel vm5, $0x4880, v38  }
0x46: {  	v3 =	vsel vm12, $0xF00, v60;
	v2 =	vsel vm7, $0xA900, v2;
	v1 =	vsel vm6, $0x6800, v1  }
0x47: {  	v58 =	vsel vm4, $0x8D80, v57;
	v3 =	vsel vm8, $0xF80, v3;
	v1 =	vsel vm13, $0x6880, v1  }
0x48: {  	v2 =	vsel vm3, $0xA980, v2;
	v3 =	vsel vm9, $0x2F00, v3;
	v1 =	vsel vm14, $0x8800, v1  }
0x49: {  	v2 =	vsel vm2, $0xC900, v2;
	v62 =	vsel vm10, $0x2F80, v3;
	v1 =	vsel vm4, $0x8880, v1  }
0x4a: {  	v3 =	vsel vm12, $0x1000, v63;
	v46 =	vsel vm1, $0xC980, v2;
	v1 =	vsel vm7, $0xA800, v1  }
0x4b: {  	v2 =	vsel vm12, $0xB00, v51;
	v3 =	vsel vm8, $0x1080, v3;
	v1 =	vsel vm3, $0xA880, v1  }
0x4c: {  	v2 =	vsel vm8, $0xB80, v2;
	v3 =	vsel vm9, $0x3000, v3;
	v1 =	vsel vm2, $0xC800, v1  }
0x4d: {  	v2 =	vsel vm9, $0x2B00, v2;
	v3 =	vsel vm10, $0x3080, v3;
	v1 =	vsel vm1, $0xC880, v1  }
0x4e: {  	v2 =	vsel vm10, $0x2B80, v2;
	v3 =	vsel vm11, $0x5000, v3;
	v1 =	vsel vm0, $0xE800, v1  }
0x4f: {  	v53 =	vsel vm11, $0x4B00, v2;
	v2 =	vsel vm11, $0x4C00, v54;
	[tilespmem:$0x1FD90] =	vst v1;
	v1 =	vsel vm7, $0xAA00, v50  }
0x50: {  	v3 =	vsel vm5, $0x5080, v3;
	v2 =	vsel vm5, $0x4C80, v2;
	v1 =	vsel vm3, $0xAA80, v1  }
0x51: {  	v3 =	vsel vm6, $0x7000, v3;
	v2 =	vsel vm6, $0x6C00, v2;
	v1 =	vsel vm2, $0xCA00, v1  }
0x52: {  	v3 =	vsel vm13, $0x7080, v3;
	v2 =	vsel vm13, $0x6C80, v2;
	v1 =	vsel vm1, $0xCA80, v1  }
0x53: {  	v6 =	vsel vm14, $0x9000, v3;
	v3 =	vsel vm12, $0x1200, v9;
	v1 =	vsel vm0, $0xEA00, v1  }
0x54: {  	v2 =	vsel vm14, $0x8C00, v2;
	v7 =	vsel vm4, $0x9080, v6;
	[tilespmem:$0x1FDA0] =	vst v1;
	v1 =	vsel vm5, $0x4B80, v53  }
0x55: {  	v3 =	vsel vm8, $0x1280, v3;
	v2 =	vsel vm4, $0x8C80, v2;
	v1 =	vsel vm6, $0x6B00, v1  }
0x56: {  	v3 =	vsel vm9, $0x3200, v3;
	v2 =	vsel vm7, $0xAC00, v2;
	v1 =	vsel vm13, $0x6B80, v1  }
0x57: {  	v11 =	vsel vm10, $0x3280, v3;
	v3 =	vsel vm12, $0x1300, v12;
	v1 =	vsel vm14, $0x8B00, v1  }
0x58: {  	v2 =	vsel vm3, $0xAC80, v2;
	v3 =	vsel vm8, $0x1380, v3;
	v1 =	vsel vm4, $0x8B80, v1  }
0x59: {  	v2 =	vsel vm2, $0xCC00, v2;
	v3 =	vsel vm9, $0x3300, v3;
	v1 =	vsel vm7, $0xAB00, v1  }
0x5a: {  	v56 =	vsel vm1, $0xCC80, v2;
	v2 =	vsel vm12, $0xE00, v59;
	v1 =	vsel vm3, $0xAB80, v1  }
0x5b: {  	v3 =	vsel vm10, $0x3380, v3;
	v52 =	vsel vm0, $0xEC00, v56;
	v1 =	vsel vm2, $0xCB00, v1  }
0x5c: {  	v2 =	vsel vm8, $0xE80, v2;
	v3 =	vsel vm11, $0x5300, v3;
	v1 =	vsel vm1, $0xCB80, v1  }
0x5d: {  	v2 =	vsel vm9, $0x2E00, v2;
	v51 =	vsel vm0, $0xEB00, v1;
	v1 =	vsel vm7, $0xAD00, v58  }
0x5e: {  	v3 =	vsel vm5, $0x5380, v3;
	v2 =	vsel vm10, $0x2E80, v2;
	v1 =	vsel vm3, $0xAD80, v1  }
0x5f: {  	v61 =	vsel vm11, $0x4E00, v2;
	v2 =	vsel vm11, $0x4F00, v62;
	v1 =	vsel vm2, $0xCD00, v1  }
0x60: {  	v3 =	vsel vm6, $0x7300, v3;
	v2 =	vsel vm5, $0x4F80, v2;
	v1 =	vsel vm1, $0xCD80, v1  }
0x61: {  	v2 =	vsel vm6, $0x6F00, v2;
	v53 =	vsel vm0, $0xED00, v1;
	v1 =	vsel vm5, $0x4E80, v61  }
0x62: {  	v3 =	vsel vm13, $0x7380, v3;
	v2 =	vsel vm13, $0x6F80, v2;
	v1 =	vsel vm6, $0x6E00, v1  }
0x63: {  	v14 =	vsel vm14, $0x9300, v3;
	v2 =	vsel vm14, $0x8F00, v2;
	v1 =	vsel vm13, $0x6E80, v1  }
0x64: {  	v3 =	vsel vm12, $0x1500, v17;
	v2 =	vsel vm4, $0x8F80, v2;
	v1 =	vsel vm14, $0x8E00, v1  }
0x65: {  	v15 =	vsel vm4, $0x9380, v14;
	v2 =	vsel vm7, $0xAF00, v2;
	v1 =	vsel vm4, $0x8E80, v1  }
0x66: {  	v3 =	vsel vm8, $0x1580, v3;
	v2 =	vsel vm3, $0xAF80, v2;
	v1 =	vsel vm7, $0xAE00, v1  }
0x67: {  	v3 =	vsel vm9, $0x3500, v3;
	v2 =	vsel vm2, $0xCF00, v2;
	v1 =	vsel vm3, $0xAE80, v1  }
0x68: {  	v5 =	vsel vm1, $0xCF80, v2;
	v2 =	vsel vm12, $0x1100, v8;
	v1 =	vsel vm2, $0xCE00, v1  }
0x69: {  	v19 =	vsel vm10, $0x3580, v3;
	v2 =	vsel vm8, $0x1180, v2;
	v1 =	vsel vm1, $0xCE80, v1  }
0x6a: {  	v2 =	vsel vm9, $0x3100, v2;
	v40 =	vsel vm0, $0xEE00, v1;
	v1 =	vsel vm7, $0xB000, v7  }
0x6b: {  	v3 =	vsel vm12, $0x1600, v20;
	v2 =	vsel vm10, $0x3180, v2;
	v1 =	vsel vm3, $0xB080, v1  }
0x6c: {  	v10 =	vsel vm11, $0x5100, v2;
	v2 =	vsel vm11, $0x5200, v11;
	v1 =	vsel vm2, $0xD000, v1  }
0x6d: {  	v3 =	vsel vm8, $0x1680, v3;
	v2 =	vsel vm5, $0x5280, v2;
	v1 =	vsel vm1, $0xD080, v1  }
0x6e: {  	v2 =	vsel vm6, $0x7200, v2;
	v56 =	vsel vm0, $0xF000, v1;
	v1 =	vsel vm5, $0x5180, v10  }
0x6f: {  	v3 =	vsel vm9, $0x3600, v3;
	v2 =	vsel vm13, $0x7280, v2;
	v1 =	vsel vm6, $0x7100, v1  }
0x70: {  	v3 =	vsel vm10, $0x3680, v3;
	v2 =	vsel vm14, $0x9200, v2;
	v1 =	vsel vm13, $0x7180, v1  }
0x71: {  	v3 =	vsel vm11, $0x5600, v3;
	v2 =	vsel vm4, $0x9280, v2;
	v1 =	vsel vm14, $0x9100, v1  }
0x72: {  	v3 =	vsel vm5, $0x5680, v3;
	v2 =	vsel vm7, $0xB200, v2;
	v1 =	vsel vm4, $0x9180, v1  }
0x73: {  	v3 =	vsel vm6, $0x7600, v3;
	v2 =	vsel vm3, $0xB280, v2;
	v1 =	vsel vm7, $0xB100, v1  }
0x74: {  	v3 =	vsel vm13, $0x7680, v3;
	v2 =	vsel vm2, $0xD200, v2;
	v1 =	vsel vm3, $0xB180, v1  }
0x75: {  	v13 =	vsel vm1, $0xD280, v2;
	v2 =	vsel vm12, $0x1400, v16;
	v1 =	vsel vm2, $0xD100, v1  }
0x76: {  	v22 =	vsel vm14, $0x9600, v3;
	v2 =	vsel vm8, $0x1480, v2;
	v1 =	vsel vm1, $0xD180, v1  }
0x77: {  	v3 =	vsel vm12, $0x1800, v25;
	v2 =	vsel vm9, $0x3400, v2;
	v1 =	vsel vm0, $0xF100, v1  }
0x78: {  	v23 =	vsel vm4, $0x9680, v22;
	v2 =	vsel vm10, $0x3480, v2;
	[tilespmem:$0x1FDB0] =	vst v1;
	v1 =	vsel vm7, $0xB300, v15  }
0x79: {  	v18 =	vsel vm11, $0x5400, v2;
	v2 =	vsel vm11, $0x5500, v19;
	v1 =	vsel vm3, $0xB380, v1  }
0x7a: {  	v3 =	vsel vm8, $0x1880, v3;
	v2 =	vsel vm5, $0x5580, v2;
	v1 =	vsel vm2, $0xD300, v1  }
0x7b: {  	v3 =	vsel vm9, $0x3800, v3;
	v2 =	vsel vm6, $0x7500, v2;
	v1 =	vsel vm1, $0xD380, v1  }
0x7c: {  	v2 =	vsel vm13, $0x7580, v2;
	v59 =	vsel vm0, $0xF300, v1;
	v1 =	vsel vm5, $0x5480, v18  }
0x7d: {  	v27 =	vsel vm10, $0x3880, v3;
	v2 =	vsel vm14, $0x9500, v2;
	v1 =	vsel vm6, $0x7400, v1  }
0x7e: {  	v3 =	vsel vm12, $0x1900, v28;
	v2 =	vsel vm4, $0x9580, v2;
	v1 =	vsel vm13, $0x7480, v1  }
0x7f: {  	v3 =	vsel vm8, $0x1980, v3;
	v2 =	vsel vm7, $0xB500, v2;
	v1 =	vsel vm14, $0x9400, v1  }
0x80: {  	v3 =	vsel vm9, $0x3900, v3;
	v2 =	vsel vm3, $0xB580, v2;
	v1 =	vsel vm4, $0x9480, v1  }
0x81: {  	v3 =	vsel vm10, $0x3980, v3;
	v2 =	vsel vm2, $0xD500, v2;
	v1 =	vsel vm7, $0xB400, v1  }
0x82: {  	v21 =	vsel vm1, $0xD580, v2;
	v2 =	vsel vm12, $0x1700, v24;
	v1 =	vsel vm3, $0xB480, v1  }
0x83: {  	v3 =	vsel vm11, $0x5900, v3;
	v2 =	vsel vm8, $0x1780, v2;
	v1 =	vsel vm2, $0xD400, v1  }
0x84: {  	v3 =	vsel vm5, $0x5980, v3;
	v2 =	vsel vm9, $0x3700, v2;
	v1 =	vsel vm1, $0xD480, v1  }
0x85: {  	v2 =	vsel vm10, $0x3780, v2;
	v62 =	vsel vm0, $0xF400, v1;
	v1 =	vsel vm7, $0xB600, v23  }
0x86: {  	v26 =	vsel vm11, $0x5700, v2;
	v2 =	vsel vm11, $0x5800, v27;
	v1 =	vsel vm3, $0xB680, v1  }
0x87: {  	v3 =	vsel vm6, $0x7900, v3;
	v2 =	vsel vm5, $0x5880, v2;
	v1 =	vsel vm2, $0xD600, v1  }
0x88: {  	v3 =	vsel vm13, $0x7980, v3;
	v2 =	vsel vm6, $0x7800, v2;
	v1 =	vsel vm1, $0xD680, v1  }
0x89: {  	v2 =	vsel vm13, $0x7880, v2;
	v63 =	vsel vm0, $0xF600, v1;
	v1 =	vsel vm5, $0x5780, v26  }
0x8a: {  	v30 =	vsel vm14, $0x9900, v3;
	v2 =	vsel vm14, $0x9800, v2;
	v1 =	vsel vm6, $0x7700, v1  }
0x8b: {  	v3 =	vsel vm12, $0x1B00, v33;
	v2 =	vsel vm4, $0x9880, v2;
	v1 =	vsel vm13, $0x7780, v1  }
0x8c: {  	v31 =	vsel vm4, $0x9980, v30;
	v2 =	vsel vm7, $0xB800, v2;
	v1 =	vsel vm14, $0x9700, v1  }
0x8d: {  	v3 =	vsel vm8, $0x1B80, v3;
	v2 =	vsel vm3, $0xB880, v2;
	v1 =	vsel vm4, $0x9780, v1  }
0x8e: {  	v3 =	vsel vm9, $0x3B00, v3;
	v2 =	vsel vm2, $0xD800, v2;
	v1 =	vsel vm7, $0xB700, v1  }
0x8f: {  	v29 =	vsel vm1, $0xD880, v2;
	v2 =	vsel vm12, $0x1A00, v32;
	v1 =	vsel vm3, $0xB780, v1  }
0x90: {  	v35 =	vsel vm10, $0x3B80, v3;
	v2 =	vsel vm8, $0x1A80, v2;
	v1 =	vsel vm2, $0xD700, v1  }
0x91: {  	v3 =	vsel vm12, $0x1C00, v36;
	v2 =	vsel vm9, $0x3A00, v2;
	v1 =	vsel vm1, $0xD780, v1  }
0x92: {  	v2 =	vsel vm10, $0x3A80, v2;
	v57 =	vsel vm0, $0xF700, v1;
	v1 =	vsel vm7, $0xB900, v31  }
0x93: {  	v34 =	vsel vm11, $0x5A00, v2;
	v2 =	vsel vm11, $0x5B00, v35;
	v1 =	vsel vm3, $0xB980, v1  }
0x94: {  	v3 =	vsel vm8, $0x1C80, v3;
	v2 =	vsel vm5, $0x5B80, v2;
	v1 =	vsel vm2, $0xD900, v1  }
0x95: {  	v3 =	vsel vm9, $0x3C00, v3;
	v2 =	vsel vm6, $0x7B00, v2;
	v1 =	vsel vm1, $0xD980, v1  }
0x96: {  	v2 =	vsel vm13, $0x7B80, v2;
	v47 =	vsel vm0, $0xF900, v1;
	v1 =	vsel vm5, $0x5A80, v34  }
0x97: {  	v3 =	vsel vm10, $0x3C80, v3;
	v2 =	vsel vm14, $0x9B00, v2;
	v1 =	vsel vm6, $0x7A00, v1  }
0x98: {  	v3 =	vsel vm11, $0x5C00, v3;
	v2 =	vsel vm4, $0x9B80, v2;
	v1 =	vsel vm13, $0x7A80, v1  }
0x99: {  	v3 =	vsel vm5, $0x5C80, v3;
	v2 =	vsel vm7, $0xBB00, v2;
	v1 =	vsel vm14, $0x9A00, v1  }
0x9a: {  	v3 =	vsel vm6, $0x7C00, v3;
	v2 =	vsel vm3, $0xBB80, v2;
	v1 =	vsel vm4, $0x9A80, v1  }
0x9b: {  	v3 =	vsel vm13, $0x7C80, v3;
	v2 =	vsel vm2, $0xDB00, v2;
	v1 =	vsel vm7, $0xBA00, v1  }
0x9c: {  	v38 =	vsel vm14, $0x9C00, v3;
	v37 =	vsel vm1, $0xDB80, v2;
	v1 =	vsel vm3, $0xBA80, v1  }
0x9d: {  	v2 =	vsel vm12, $0x1D00, v55;
	v55 =	vmul.u32 $0x80, v0;
	v1 =	vsel vm2, $0xDA00, v1  }
0x9e: {  	v49 =	vsel vm0, $0xE900, v46;
	v46 =	vsel vm4, $0x9C80, v38;
	v1 =	vsel vm1, $0xDA80, v1  }
0x9f: {  	v9 =	vor.u32 $0x100, v55;
	v54 =	vsel vm0, $0xFA00, v1;
	v1 =	vsel vm7, $0xBC00, v46  }
0xa0: {  	v10 =	vor.u32 $0x200, v55;
	[tilespmem:$0x1FDD0] =	vst v9;
	v1 =	vsel vm3, $0xBC80, v1  }
0xa1: {  	v11 =	vor.u32 $0x300, v55;
	[tilespmem:$0x1FDE0] =	vst v10;
	v1 =	vsel vm2, $0xDC00, v1  }
0xa2: {  	s4 =	rddreg [dreg:$0x0];
	v12 =	vor.u32 $0x1000, v55;
	[tilespmem:$0x1FDF0] =	vst v11;
	v1 =	vsel vm1, $0xDC80, v1  }
0xa3: {  	s0 =	rddreg [dreg:$0x1];
	s3 =	simm.s32 $0x0;
	[tilespmem:$0x1FE00] =	vst v12;
	v1 =	vsel vm0, $0xFC00, v1  }
0xa4: {  	[smem:$0x7FF] =	sst s3;
	v60 =	vimm.s32 $0xFE80;
	v58 =	vsel vm0, $0xF200, v13;
	v13 =	vor.u32 $0x1100, v55;
	[tilespmem:$0x1FDC0] =	vst v1  }
0xa5: {  	s5 =	rddreg [dreg:$0x2];
	v3 =	vsel vm12, $0x1E00, v60;
	v14 =	vor.u32 $0x1200, v55;
	_ =	strace $0x80000047;
	[tilespmem:$0x1FE10] =	vst v13  }
0xa6: {  	v3 =	vsel vm8, $0x1E80, v3;
	v15 =	vor.u32 $0x1300, v55;
	[tilespmem:$0x1FE20] =	vst v14  }
0xa7: {  	v7 =	vimm.s32 $0xFF80;
	v3 =	vsel vm9, $0x3E00, v3;
	v16 =	vor.u32 $0x2000, v55;
	[tilespmem:$0x1FE30] =	vst v15  }
0xa8: {  	v6 =	vsel vm10, $0x3E80, v3;
	v3 =	vsel vm12, $0x1F00, v7;
	v17 =	vor.u32 $0x2100, v55;
	[tilespmem:$0x1FE40] =	vst v16  }
0xa9: {  	v3 =	vsel vm8, $0x1F80, v3;
	v18 =	vor.u32 $0x2200, v55;
	[tilespmem:$0x1FE50] =	vst v17  }
0xaa: {  	v3 =	vsel vm9, $0x3F00, v3;
	v19 =	vor.u32 $0x2300, v55;
	[tilespmem:$0x1FE60] =	vst v18  }
0xab: {  	v4 =	vimm.s32 $0xEFCDAB89;
	v3 =	vsel vm10, $0x3F80, v3;
	v20 =	vor.u32 $0x3000, v55;
	[tilespmem:$0x1FE70] =	vst v19  }
0xac: {  	v61 =	vsel vm0, $0xF500, v21;
	v3 =	vsel vm11, $0x5F00, v3;
	v21 =	vor.u32 $0x3100, v55;
	[tilespmem:$0x1FE80] =	vst v20  }
0xad: {  	v4 =	vunpack.c.l.s4.s8 v4;
	v3 =	vsel vm5, $0x5F80, v3;
	v22 =	vor.u32 $0x3200, v55;
	[tilespmem:$0x1FE90] =	vst v21  }
0xae: {  	v3 =	vsel vm6, $0x7F00, v3;
	v23 =	vor.u32 $0x3300, v55;
	[tilespmem:$0x1FEA0] =	vst v22  }
0xaf: {  	v4 =	vunpack.c.0.s8.s32 v4;
	v3 =	vsel vm13, $0x7F80, v3;
	v24 =	vor.u32 $0x4000, v55;
	[tilespmem:$0x1FEB0] =	vst v23  }
0xb0: {  	v41 =	vsel vm0, $0xEF00, v5;
	v3 =	vsel vm14, $0x9F00, v3;
	v25 =	vor.u32 $0x4100, v55;
	[tilespmem:$0x1FEC0] =	vst v24  }
0xb1: {  	v3 =	vsel vm4, $0x9F80, v3;
	v2 =	vsel vm8, $0x1D80, v2;
	v26 =	vor.u32 $0x4200, v55;
	[tilespmem:$0x1FED0] =	vst v25  }
0xb2: {  	v3 =	vsel vm7, $0xBF00, v3;
	v2 =	vsel vm9, $0x3D00, v2;
	v27 =	vor.u32 $0x4300, v55;
	[tilespmem:$0x1FEE0] =	vst v26  }
0xb3: {  	v50 =	vsel vm0, $0xF800, v29;
	v28 =	vor.u32 $0x5000, v55;
	v2 =	vsel vm10, $0x3D80, v2;
	[tilespmem:$0x1FEF0] =	vst v27  }
0xb4: {  	v29 =	vor.u32 $0x5100, v55;
	v5 =	vsel vm11, $0x5D00, v2;
	v2 =	vsel vm11, $0x5E00, v6;
	[tilespmem:$0x1FF00] =	vst v28  }
0xb5: {  	v3 =	vsel vm3, $0xBF80, v3;
	v30 =	vor.u32 $0x5200, v55;
	v2 =	vsel vm5, $0x5E80, v2;
	[tilespmem:$0x1FF10] =	vst v29  }
0xb6: {  	v3 =	vsel vm2, $0xDF00, v3;
	v31 =	vor.u32 $0x5300, v55;
	v2 =	vsel vm6, $0x7E00, v2;
	[tilespmem:$0x1FF20] =	vst v30  }
0xb7: {  	v48 =	vsel vm0, $0xFB00, v37;
	v33 =	vor.u32 $0x6000, v55;
	v2 =	vsel vm13, $0x7E80, v2;
	[tilespmem:$0x1FF30] =	vst v31  }
0xb8: {  	v35 =	vor.u32 $0x6100, v55;
	v36 =	vor.u32 $0x6200, v55;
	v2 =	vsel vm14, $0x9E00, v2;
	[tilespmem:$0x1FF40] =	vst v33  }
0xb9: {  	v37 =	vor.u32 $0x6300, v55;
	v2 =	vsel vm4, $0x9E80, v2;
	v1 =	vsel vm5, $0x5D80, v5;
	[tilespmem:$0x1FF50] =	vst v35  }
0xba: {  	s6 =	srdreg.scid;
	v2 =	vsel vm7, $0xBE00, v2;
	v5 =	vimm.s32 $0x67452301;
	v1 =	vsel vm6, $0x7D00, v1;
	[tilespmem:$0x1FF60] =	vst v36  }
0xbb: {  	s10 =	simm.s32 $0x280;
	s14 =	simm.s32 $0x8280;
	s15 =	simm.s32 $0xA280;
	v46 =	vor.u32 $0x7000, v55;
	v5 =	vunpack.c.l.s4.s8 v5;
	[tilespmem:$0x1FF70] =	vst v37;
	v1 =	vsel vm13, $0x7D80, v1  }
0xbc: {  	s1 =	stileid.u32;
	s16 =	simm.s32 $0xC280;
	s17 =	simm.s32 $0xE280;
	v8 =	vsel vm1, $0xDF80, v3;
	v2 =	vsel vm3, $0xBE80, v2;
	[tilespmem:$0x1FF80] =	vst v46;
	v1 =	vsel vm14, $0x9D00, v1  }
0xbd: {  	s19 =	simm.s32 $0x18280;
	s18 =	simm.s32 $0x1;
	s6 =	sand.u32 $0x1, s6;
	v2 =	vsel vm2, $0xDE00, v2;
	[tilespmem:$0x1FF90] =	vst v62;
	v5 =	vunpack.c.0.s8.s32 v5;
	v1 =	vsel vm4, $0x9D80, v1  }
0xbe: {  	s20 =	simm.s32 $0x1000;
	s21 =	simm.s32 $0x20000;
	s7 =	ssub.s32 $0x2, s6;
	v32 =	vsel vm0, $0xFF00, v8;
	v2 =	vsel vm1, $0xDE80, v2;
	[tilespmem:$0x1FFA0] =	vst v53;
	v1 =	vsel vm7, $0xBD00, v1  }
0xbf: {  	s8 =	sshll.u32 s1, $0xA;
	s6 =	sshll.u32 s6, $0x9;
	s9 =	sshrl.u32 s7, $0x1;
	v34 =	vsel vm0, $0xFE00, v2;
	[tilespmem:$0x1FFB0] =	vst v32;
	v4 =	vcombine.low v5, v4;
	v1 =	vsel vm3, $0xBD80, v1  }
0xc0: {  	s22 =	simm.s32 $0x0;
	s6 =	sor.u32 s6, s8;
	s7 =	ssub.s32 s7, s9;
	[tilespmem:$0x1FFC0] =	vst v34;
	v1 =	vsel vm2, $0xDD00, v1  }
0xc1: {  	s8 =	sshrl.u32 s6, $0x3;
	s5 =	sadd.s32 s5, s6;
	s9 =	simm.s32 $0x7A1400;
	[tilespmem:$0x1FFF0] =	vst v55;
	v60 =	vand.u32 $0xF, v4;
	v1 =	vsel vm1, $0xDD80, v1  }
0xc2: {  	s4 =	sadd.s32 s4, s8;
	s6 =	smax.u32 s7, $0x1;
	s7 =	simm.s32 $0x2;
	[tilespmem:$0x1FFE0] =	vst v60;
	v38 =	vsel vm0, $0xFD00, v1  }
0xc3: {  	s8 =	simm.s32 $0x400;
	[dreg:$0x4] =	wrdreg s19;
	s19 =	simm.s32 $0x10280;
	[tilespmem:$0x1FFD0] =	vst v38  }
.LBB2_1:
0xc4: {  	[tilespmem:s3], [sflag:$0x2] =	stream.linear.gather [hbm4b:s4+s3], $0x200, $0x38;
	[tilespmem:$0x18300] =	vst v63  }
0xc5: {  	_ =	swait.ge [sflag:s7], $0x200  }
0xc6: {  	[sflag:s7] =	ssyncset.done $0x0  }
0xc7: {  	[sflag:s7] =	ssyncadd.s32 $0xFFFFFE00  }
0xc8: {  	v0 =	vld [tilespmem:$0x0];
	_ =	sdelay $0x4  }
0xc9: {  	(v2sf) =	vpush v0, $0x0;
	_ =	sdelay $0x1  }
0xca: {  	(v2sf) =	vpush v0, $0x1;
	_ =	sdelay $0x1  }
0xcb: {  	(v2sf) =	vpush v0, $0x2;
	_ =	sdelay $0x5  }
0xcc: {  	(v2sf) =	vpush v0, $0x3;
	_ =	sdelay $0x4  }
0xcd: {  	s23 =	spop (v2sf);
	(v2sf) =	vpush v0, $0x4;
	_ =	sdelay $0x1  }
0xce: {  	s11 =	spop (v2sf);
	(v2sf) =	vpush v0, $0x5  }
0xcf: {  	v1 =	vimm.s32 $0x0;
	s23 =	sand.u32 $0xFFFFF80, s23  }
0xd0: {  	[tilespmem:$0x200] =	vst v1;
	s23 =	sadd.s32 s0, s23;
	s12 =	spop (v2sf)  }
0xd1: {  	(v2sf) =	vpush v0, $0x6;
	[tilespmem:s10], [sflag:$0x1] =	stream.strided.gather [hbm4b:s23+s8], $0x2000, s9, s8, $0x38;
	[tilespmem:$0x18300] =	vst v63  }
0xd2: {  	s23 =	sand.u32 $0xFFFFF80, s11  }
0xd3: {  	s1 =	simm.s32 $0x2280;
	s23 =	sadd.s32 s0, s23  }
0xd4: {  	(v2sf) =	vpush v0, $0x7;
	[tilespmem:s1], [sflag:$0x1] =	stream.strided.gather [hbm4b:s23+s8], $0x2000, s9, s8, $0x38;
	[tilespmem:$0x18300] =	vst v63  }
0xd5: {  	s23 =	sand.u32 $0xFFFFF80, s12  }
0xd6: {  	s13 =	simm.s32 $0x4280;
	s24 =	spop (v2sf);
	s23 =	sadd.s32 s0, s23  }
0xd7: {  	[tilespmem:s13], [sflag:$0x1] =	stream.strided.gather [hbm4b:s23+s8], $0x2000, s9, s8, $0x38;
	[tilespmem:$0x18300] =	vst v63  }
0xd8: {  	s23 =	sand.u32 $0xFFFFF80, s24  }
0xd9: {  	s25 =	simm.s32 $0x6280;
	s23 =	sadd.s32 s0, s23  }
0xda: {  	[tilespmem:s25], [sflag:$0x1] =	stream.strided.gather [hbm4b:s23+s8], $0x2000, s9, s8, $0x38;
	[tilespmem:$0x18300] =	vst v63  }
0xdb: {  	s26 =	spop (v2sf)  }
0xdc: {  	s23 =	sand.u32 $0xFFFFF80, s26  }
0xdd: {  	s28 =	spop (v2sf);
	s23 =	sadd.s32 s0, s23  }
0xde: {  	[tilespmem:s14], [sflag:$0x1] =	stream.strided.gather [hbm4b:s23+s8], $0x2000, s9, s8, $0x38;
	[tilespmem:$0x18300] =	vst v63  }
0xdf: {  	s23 =	sand.u32 $0xFFFFF80, s28  }
0xe0: {  	s29 =	spop (v2sf);
	s23 =	sadd.s32 s0, s23  }
0xe1: {  	[tilespmem:s15], [sflag:$0x1] =	stream.strided.gather [hbm4b:s23+s8], $0x2000, s9, s8, $0x38;
	[tilespmem:$0x18300] =	vst v63  }
0xe2: {  	s23 =	sand.u32 $0xFFFFF80, s29  }
0xe3: {  	s30 =	spop (v2sf);
	s23 =	sadd.s32 s0, s23  }
0xe4: {  	[tilespmem:s16], [sflag:$0x1] =	stream.strided.gather [hbm4b:s23+s8], $0x2000, s9, s8, $0x38;
	[tilespmem:$0x18300] =	vst v63  }
0xe5: {  	s23 =	sand.u32 $0xFFFFF80, s30  }
0xe6: {  	s23 =	sadd.s32 s0, s23  }
0xe7: {  	[tilespmem:s17], [sflag:$0x1] =	stream.strided.gather [hbm4b:s23+s8], $0x2000, s9, s8, $0x38;
	[tilespmem:$0x18300] =	vst v63  }
0xe8: {  	_ =	swait.ge [sflag:s18], $0x8000  }
0xe9: {  	v0 =	vor.u32 s3, v39;
	[sflag:s18] =	ssyncset.done $0x0  }
0xea: {  	[sflag:s18] =	ssyncadd.s32 $0xFFFF8000  }
0xeb: {  	_ =	swait.ge [sflag:s18], $0x8000  }
0xec: {  	[sflag:s18] =	ssyncset.done $0x0  }
0xed: {  	[sflag:s18] =	ssyncadd.s32 $0xFFFF8000  }
0xee: {  	v1 =	vld.idx.msk [tilespmem:v0+s3+$0x0], $0xffff;
	_ =	sdelay $0x3  }
0xef: {  	v2 =	vld [tilespmem:$0x1FD50]  }
0xf0: {  	v6 =	vand.u32 $0x7F, v1;
	v1 =	vld [tilespmem:$0x1FD60];
	_ =	sdelay $0x3  }
0xf1: {  	v3 =	vor.u32 v2, v6  }
0xf2: {  	v2 =	vld [tilespmem:$0x1FD70];
	v1 =	vor.u32 v1, v6  }
0xf3: {  	v4 =	vor.u32 v42, v6  }
0xf4: {  	v7 =	vor.u32 v44, v6;
	_ =	sdelay $0x1  }
0xf5: {  	v10 =	vld.idx.msk [tilespmem:v3+s10+$0x0], $0xffff  }
0xf6: {  	v5 =	vor.u32 v2, v6;
	v2 =	vld.idx.msk [tilespmem:v1+s10+$0x0], $0xffff  }
0xf7: {  	v3 =	vld.idx.msk [tilespmem:v4+s10+$0x0], $0xffff  }
0xf8: {  	v8 =	vor.u32 v45, v6;
	v4 =	vld.idx.msk [tilespmem:v7+s10+$0x0], $0xffff  }
0xf9: {  	v7 =	vld [tilespmem:$0x1FD80];
	_ =	sdelay $0x1  }
0xfa: {  	v1 =	vld.idx.msk [tilespmem:v5+s10+$0x0], $0xffff;
	v11 =	vmul.f32 v10, v10;
	v5 =	vmul.f32 v2, v2;
	_ =	sdelay $0x1  }
0xfb: {  	v9 =	vor.u32 v43, v6;
	v11 =	vadd.f32 v5, v11;
	v5 =	vld.idx.msk [tilespmem:v8+s10+$0x0], $0xffff  }
0xfc: {  	v7 =	vor.u32 v7, v6;
	v8 =	vld [tilespmem:$0x1FD90]  }
0xfd: {  	v12 =	vmul.f32 v3, v3;
	_ =	sdelay $0x1  }
0xfe: {  	v13 =	vmul.f32 v1, v1;
	v12 =	vadd.f32 v12, v11  }
0xff: {  	v11 =	vld.idx.msk [tilespmem:v9+s10+$0x0], $0xffff  }
0x100: {  	v13 =	vadd.f32 v13, v12;
	v12 =	vld.idx.msk [tilespmem:v7+s10+$0x0], $0xffff;
	v8 =	vor.u32 v8, v6  }
0x101: {  	v7 =	vld [tilespmem:$0x1FDA0]  }
0x102: {  	v14 =	vmul.f32 v4, v4;
	v9 =	vor.u32 v49, v6;
	_ =	sdelay $0x1  }
0x103: {  	v15 =	vmul.f32 v5, v5;
	v14 =	vadd.f32 v14, v13  }
0x104: {  	v13 =	vld.idx.msk [tilespmem:v8+s10+$0x0], $0xffff  }
0x105: {  	v16 =	vmul.f32 v11, v11;
	v15 =	vadd.f32 v15, v14;
	v7 =	vor.u32 v7, v6  }
0x106: {  	v14 =	vld.idx.msk [tilespmem:v9+s10+$0x0], $0xffff  }
0x107: {  	v9 =	vmul.f32 v12, v12;
	v8 =	vor.u32 v51, v6;
	v16 =	vadd.f32 v16, v15;
	_ =	sdelay $0x1  }
0x108: {  	v17 =	vor.u32 v52, v6;
	v9 =	vadd.f32 v9, v16;
	v18 =	vmul.f32 v13, v13  }
0x109: {  	v15 =	vld.idx.msk [tilespmem:v7+s10+$0x0], $0xffff  }
0x10a: {  	v19 =	vmul.f32 v14, v14;
	v7 =	vor.u32 v53, v6;
	v9 =	vadd.f32 v18, v9  }
0x10b: {  	v16 =	vld.idx.msk [tilespmem:v8+s10+$0x0], $0xffff  }
0x10c: {  	v8 =	vor.u32 v40, v6;
	v9 =	vadd.f32 v19, v9;
	v19 =	vld [tilespmem:$0x1FDB0]  }
0x10d: {  	v17 =	vld.idx.msk [tilespmem:v17+s10+$0x0], $0xffff  }
0x10e: {  	v20 =	vor.u32 v41, v6;
	v21 =	vmul.f32 v15, v15  }
0x10f: {  	v18 =	vld.idx.msk [tilespmem:v7+s10+$0x0], $0xffff  }
0x110: {  	v7 =	vor.u32 v56, v6;
	v22 =	vmul.f32 v16, v16;
	v9 =	vadd.f32 v21, v9  }
0x111: {  	p0 =	por $0x0, $0x0;
	s23 =	simm.s32 $0x8;
	v23 =	vor.u32 v19, v6;
	v19 =	vld.idx.msk [tilespmem:v8+s10+$0x0], $0xffff  }
0x112: {  	v33 =	vld @!p0 [tilespmem:s23+$0x0];
	v9 =	vadd.f32 v22, v9;
	v8 =	vmul.f32 v17, v17  }
0x113: {  	v20 =	vld.idx.msk [tilespmem:v20+s10+$0x0], $0xffff  }
0x114: {  	v36 =	vmul.f32 v18, v18;
	v8 =	vadd.f32 v8, v9  }
0x115: {  	v21 =	vld.idx.msk [tilespmem:v7+s10+$0x0], $0xffff  }
0x116: {  	v8 =	vadd.f32 v36, v8;
	v7 =	vmul.f32 v19, v19  }
0x117: {  	(v2sf) =	vpush @!p0 v33, $0x3;
	v24 =	vor.u32 v58, v6;
	v22 =	vld.idx.msk [tilespmem:v23+s10+$0x0], $0xffff  }
0x118: {  	v28 =	vmul.f32 v20, v20;
	v9 =	vor.u32 v59, v6;
	v7 =	vadd.f32 v7, v8  }
0x119: {  	(v2sf) =	vpush @!p0 v33, $0x2  }
0x11a: {  	(v2sf) =	vpush @!p0 v33, $0x0;
	v31 =	vmul.f32 v21, v21;
	v7 =	vadd.f32 v28, v7  }
0x11b: {  	v25 =	vor.u32 v62, v6  }
0x11c: {  	(v2sf) =	vpush @!p0 v33, $0x4;
	v30 =	vld.idx.msk [tilespmem:v24+s10+$0x0], $0xffff;
	v37 =	vmul.f32 v22, v22;
	v7 =	vadd.f32 v31, v7  }
0x11d: {  	v26 =	vor.u32 v61, v6;
	v23 =	vld.idx.msk [tilespmem:v9+s10+$0x0], $0xffff  }
0x11e: {  	v27 =	vor.u32 v63, v6;
	(v2sf) =	vpush @!p0 v33, $0x1;
	v7 =	vadd.f32 v37, v7;
	v37 =	vld [tilespmem:$0x1FDC0]  }
0x11f: {  	v29 =	vor.u32 v50, v6  }
0x120: {  	v24 =	vld.idx.msk [tilespmem:v25+s10+$0x0], $0xffff;
	v9 =	vor.u32 v47, v6  }
0x121: {  	v35 =	vmul.f32 v30, v30;
	v8 =	vor.u32 v57, v6  }
0x122: {  	v46 =	vor.u32 v54, v6;
	v34 =	vor.u32 v34, v6;
	v26 =	vld.idx.msk [tilespmem:v26+s10+$0x0], $0xffff  }
0x123: {  	v27 =	vld.idx.msk [tilespmem:v27+s10+$0x0], $0xffff;
	v7 =	vadd.f32 v35, v7;
	v36 =	vor.u32 v37, v6;
	v37 =	vmul.f32 v23, v23  }
0x124: {  	v32 =	vor.u32 v32, v6;
	v25 =	vld.idx.msk [tilespmem:v29+s10+$0x0], $0xffff  }
0x125: {  	v29 =	vld.idx.msk [tilespmem:v9+s10+$0x0], $0xffff;
	v9 =	vmul.f32 v24, v24;
	v35 =	vor.u32 v38, v6;
	v38 =	vadd.f32 v37, v7  }
0x126: {  	s24 =	spop @!p0 (v2sf);
	(v2sf) =	vpush @!p0 v33, $0x5;
	v28 =	vld.idx.msk [tilespmem:v8+s10+$0x0], $0xffff;
	v8 =	vor.u32 v48, v6  }
0x127: {  	v31 =	vld.idx.msk [tilespmem:v46+s10+$0x0], $0xffff;
	v46 =	vmul.f32 v26, v26;
	v37 =	vadd.f32 v9, v38  }
0x128: {  	s25 =	spop @!p0 (v2sf);
	v7 =	vld.idx.msk [tilespmem:v34+s10+$0x0], $0xffff  }
0x129: {  	(v2sf) =	vpush @!p0 v33, $0x6;
	s26 =	spop @!p0 (v2sf);
	v9 =	vld.idx.msk [tilespmem:v36+s10+$0x0], $0xffff;
	v36 =	vmul.f32 v27, v27;
	v34 =	vadd.f32 v46, v37  }
0x12a: {  	s31 =	simm.s32 @!p0 $0x280;
	s29 =	simm.s32 @!p0 $0x400;
	s26 =	sand.u32 @!p0 $0xFFFFF80, s26;
	v6 =	vld.idx.msk [tilespmem:v32+s10+$0x0], $0xffff  }
0x12b: {  	s30 =	simm.s32 @!p0 $0x7A1400;
	(v2sf) =	vpush @!p0 v33, $0x7;
	s28 =	spop @!p0 (v2sf);
	s26 =	sadd.s32 @!p0 s0, s26;
	v32 =	vld.idx.msk [tilespmem:v8+s10+$0x0], $0xffff;
	v46 =	vmul.f32 v28, v28;
	v34 =	vadd.f32 v36, v34  }
0x12c: {  	v8 =	vld.idx.msk [tilespmem:v35+s10+$0x0], $0xffff;
	[tilespmem:s31], [sflag:$0x1] =	stream.strided.gather @!p0 [hbm4b:s26+s29], $0x2000, s30, s29, $0x38  }
0x12d: {  	s26 =	spop @!p0 (v2sf);
	v36 =	vmul.f32 v25, v25;
	v33 =	vadd.f32 v46, v34  }
0x12e: {  	s26 =	sand.u32 @!p0 $0xFFFFF80, s26  }
0x12f: {  	s25 =	sand.u32 @!p0 $0xFFFFF80, s25;
	s31 =	simm.s32 @!p0 $0x2280;
	v37 =	vmul.f32 v29, v29;
	s26 =	sadd.s32 @!p0 s0, s26;
	v33 =	vadd.f32 v36, v33  }
0x130: {  	[tilespmem:s31], [sflag:$0x1] =	stream.strided.gather @!p0 [hbm4b:s26+s29], $0x2000, s30, s29, $0x38;
	[tilespmem:$0x18300] =	vst v63  }
0x131: {  	s24 =	sand.u32 @!p0 $0xFFFFF80, s24;
	s25 =	sadd.s32 @!p0 s0, s25;
	v38 =	vmul.f32 v31, v31;
	s26 =	simm.s32 @!p0 $0x4280;
	v33 =	vadd.f32 v37, v33  }
0x132: {  	[tilespmem:s26], [sflag:$0x1] =	stream.strided.gather @!p0 [hbm4b:s25+s29], $0x2000, s30, s29, $0x38;
	[tilespmem:$0x18300] =	vst v63  }
0x133: {  	s24 =	sadd.s32 @!p0 s0, s24;
	v46 =	vmul.f32 v32, v32;
	s25 =	simm.s32 @!p0 $0x6280;
	v33 =	vadd.f32 v38, v33  }
0x134: {  	[tilespmem:s25], [sflag:$0x1] =	stream.strided.gather @!p0 [hbm4b:s24+s29], $0x2000, s30, s29, $0x38;
	[tilespmem:$0x18300] =	vst v63  }
0x135: {  	s24 =	sand.u32 @!p0 $0xFFFFF80, s28;
	s25 =	spop @!p0 (v2sf);
	v36 =	vmul.f32 v9, v9;
	v33 =	vadd.f32 v46, v33  }
0x136: {  	s26 =	simm.s32 @!p0 $0x8280;
	s25 =	sand.u32 @!p0 $0xFFFFF80, s25;
	s24 =	sadd.s32 @!p0 s0, s24  }
0x137: {  	v37 =	vmul.f32 v8, v8;
	[tilespmem:s26], [sflag:$0x1] =	stream.strided.gather @!p0 [hbm4b:s24+s29], $0x2000, s30, s29, $0x38;
	v33 =	vadd.f32 v36, v33;
	[tilespmem:$0x18300] =	vst v63  }
0x138: {  	s24 =	spop @!p0 (v2sf);
	s25 =	sadd.s32 @!p0 s0, s25;
	s26 =	simm.s32 @!p0 $0xA280  }
0x139: {  	v38 =	vmul.f32 v7, v7;
	[tilespmem:s26], [sflag:$0x1] =	stream.strided.gather @!p0 [hbm4b:s25+s29], $0x2000, s30, s29, $0x38;
	v33 =	vadd.f32 v37, v33;
	[tilespmem:$0x18300] =	vst v63  }
0x13a: {  	s24 =	sand.u32 @!p0 $0xFFFFF80, s24;
	s25 =	spop @!p0 (v2sf)  }
0x13b: {  	s24 =	sadd.s32 @!p0 s0, s24;
	s26 =	simm.s32 @!p0 $0xC280;
	s25 =	sand.u32 @!p0 $0xFFFFF80, s25;
	v46 =	vmul.f32 v6, v6;
	v33 =	vadd.f32 v38, v33  }
0x13c: {  	[tilespmem:s26], [sflag:$0x1] =	stream.strided.gather @!p0 [hbm4b:s24+s29], $0x2000, s30, s29, $0x38;
	[tilespmem:$0x18300] =	vst v63  }
0x13d: {  	s24 =	sadd.s32 @!p0 s0, s25;
	s25 =	simm.s32 @!p0 $0xE280;
	v33 =	vadd.f32 v46, v33  }
0x13e: {  	[tilespmem:s25], [sflag:$0x1] =	stream.strided.gather @!p0 [hbm4b:s24+s29], $0x2000, s30, s29, $0x38;
	[tilespmem:$0x18300] =	vst v63  }
0x13f: {  	s31 =	rddreg [dreg:$0x4];
	[tilespmem:$0x18280] =	vst v33  }
0x140: {  	v36 =	vld.idx.msk [tilespmem:v60+s31+$0x0], $0xffff;
	_ =	sdelay $0x4  }
0x141: {  	v33 =	vadd.f32 v36, v33;
	_ =	sdelay $0x1  }
0x142: {  	v33 =	vmax.f32 v33, $1.000000020e-24  }
0x143: {  	v37 =	vshra.s32 v33, $0x1;
	v33 =	vmul.f32 $5.000000000e-01, v33  }
0x144: {  	v34 =	vsub.s32 $0x5F3759DF, v37  }
0x145: {  	v38 =	vmul.f32 v34, v33;
	_ =	sdelay $0x1  }
0x146: {  	v35 =	vmul.f32 v34, v38;
	_ =	sdelay $0x1  }
0x147: {  	v35 =	vsub.f32 $1.500000000e+00, v35;
	_ =	sdelay $0x1  }
0x148: {  	v34 =	vmul.f32 v34, v35;
	_ =	sdelay $0x1  }
0x149: {  	v35 =	vmul.f32 v34, v33;
	_ =	sdelay $0x1  }
0x14a: {  	v35 =	vmul.f32 v35, v34;
	_ =	sdelay $0x1  }
0x14b: {  	v35 =	vsub.f32 $1.500000000e+00, v35;
	_ =	sdelay $0x1  }
0x14c: {  	v34 =	vmul.f32 v35, v34;
	_ =	sdelay $0x1  }
0x14d: {  	v33 =	vmul.f32 v34, v33  }
0x14e: {  	v46 =	vmov s3;
	v60 =	vld [tilespmem:$0x1FDD0]  }
0x14f: {  	v35 =	vshll.u32 v46, $0x3;
	v33 =	vmul.f32 v33, v34  }
0x150: {  	v0 =	vand.u32 $0x7F, v0;
	v35 =	vand.u32 $0xC00, v35  }
0x151: {  	v0 =	vor.u32 v0, v35;
	v33 =	vsub.f32 $1.500000000e+00, v33  }
0x152: {  	v35 =	vor.u32 v55, v0  }
0x153: {  	v36 =	vor.u32 v60, v0;
	v37 =	vmul.f32 v33, v34  }
0x154: {  	v38 =	vld [tilespmem:$0x1FDE0]  }
0x155: {  	v46 =	vld [tilespmem:$0x1FDF0];
	v10 =	vmul.f32 v37, v10  }
0x156: {  	v60 =	vld [tilespmem:$0x1FE00];
	v2 =	vmul.f32 v37, v2  }
0x157: {  	[tilespmem:v35+s19+$0x0] =	vst.idx.msk $0xffff, v10;
	v10 =	vld [tilespmem:$0x1FE10]  }
0x158: {  	[tilespmem:v36+s19+$0x0] =	vst.idx.msk $0xffff, v2;
	v2 =	vld [tilespmem:$0x1FE20]  }
0x159: {  	v33 =	vor.u32 v38, v0  }
0x15a: {  	v34 =	vor.u32 v46, v0  }
0x15b: {  	v38 =	vor.u32 v60, v0  }
0x15c: {  	v3 =	vmul.f32 v37, v3;
	v10 =	vor.u32 v10, v0  }
0x15d: {  	v1 =	vmul.f32 v37, v1;
	v2 =	vor.u32 v2, v0  }
0x15e: {  	[tilespmem:v33+s19+$0x0] =	vst.idx.msk $0xffff, v3;
	v3 =	vmul.f32 v37, v4;
	v4 =	vld [tilespmem:$0x1FE30]  }
0x15f: {  	[tilespmem:v34+s19+$0x0] =	vst.idx.msk $0xffff, v1;
	v1 =	vmul.f32 v37, v5;
	v5 =	vld [tilespmem:$0x1FE40]  }
0x160: {  	[tilespmem:v38+s19+$0x0] =	vst.idx.msk $0xffff, v3;
	v3 =	vmul.f32 v37, v11;
	v11 =	vld [tilespmem:$0x1FE50]  }
0x161: {  	[tilespmem:v10+s19+$0x0] =	vst.idx.msk $0xffff, v1;
	v10 =	vld [tilespmem:$0x1FE60]  }
0x162: {  	[tilespmem:v2+s19+$0x0] =	vst.idx.msk $0xffff, v3;
	v3 =	vld [tilespmem:$0x1FE70]  }
0x163: {  	v4 =	vor.u32 v4, v0  }
0x164: {  	v5 =	vor.u32 v5, v0  }
0x165: {  	v11 =	vor.u32 v11, v0  }
0x166: {  	v1 =	vmul.f32 v37, v12;
	v10 =	vor.u32 v10, v0  }
0x167: {  	v2 =	vmul.f32 v37, v13;
	v3 =	vor.u32 v3, v0  }
0x168: {  	[tilespmem:v4+s19+$0x0] =	vst.idx.msk $0xffff, v1;
	v1 =	vmul.f32 v37, v14;
	v4 =	vld [tilespmem:$0x1FE80]  }
0x169: {  	[tilespmem:v5+s19+$0x0] =	vst.idx.msk $0xffff, v2;
	v2 =	vmul.f32 v37, v15;
	v5 =	vld [tilespmem:$0x1FE90]  }
0x16a: {  	[tilespmem:v11+s19+$0x0] =	vst.idx.msk $0xffff, v1;
	v1 =	vmul.f32 v37, v16;
	v11 =	vld [tilespmem:$0x1FEA0]  }
0x16b: {  	[tilespmem:v10+s19+$0x0] =	vst.idx.msk $0xffff, v2;
	v10 =	vld [tilespmem:$0x1FEB0]  }
0x16c: {  	[tilespmem:v3+s19+$0x0] =	vst.idx.msk $0xffff, v1;
	v3 =	vld [tilespmem:$0x1FEC0]  }
0x16d: {  	v4 =	vor.u32 v4, v0  }
0x16e: {  	v5 =	vor.u32 v5, v0  }
0x16f: {  	v11 =	vor.u32 v11, v0  }
0x170: {  	v2 =	vmul.f32 v37, v17;
	v10 =	vor.u32 v10, v0  }
0x171: {  	v1 =	vmul.f32 v37, v18;
	v3 =	vor.u32 v3, v0  }
0x172: {  	[tilespmem:v4+s19+$0x0] =	vst.idx.msk $0xffff, v2;
	v2 =	vmul.f32 v37, v19  }
0x173: {  	[tilespmem:v5+s19+$0x0] =	vst.idx.msk $0xffff, v1;
	v1 =	vmul.f32 v37, v20  }
0x174: {  	[tilespmem:v11+s19+$0x0] =	vst.idx.msk $0xffff, v2;
	v2 =	vmul.f32 v37, v21  }
0x175: {  	v4 =	vld [tilespmem:$0x1FED0];
	[tilespmem:v10+s19+$0x0] =	vst.idx.msk $0xffff, v1  }
0x176: {  	[tilespmem:v3+s19+$0x0] =	vst.idx.msk $0xffff, v2;
	v2 =	vld [tilespmem:$0x1FF00];
	_ =	sdelay $0x2  }
0x177: {  	v1 =	vld [tilespmem:$0x1FEF0];
	_ =	sdelay $0x1  }
0x178: {  	v4 =	vor.u32 v4, v0;
	v3 =	vor.u32 v2, v0;
	v2 =	vld [tilespmem:$0x1FF10];
	_ =	sdelay $0x1  }
0x179: {  	v5 =	vld [tilespmem:$0x1FEE0]  }
0x17a: {  	v11 =	vor.u32 v1, v0;
	v1 =	vmul.f32 v37, v22;
	_ =	sdelay $0x1  }
0x17b: {  	[tilespmem:v4+s19+$0x0] =	vst.idx.msk $0xffff, v1;
	v4 =	vor.u32 v2, v0;
	v2 =	vld [tilespmem:$0x1FF50];
	_ =	sdelay $0x1  }
0x17c: {  	v5 =	vor.u32 v5, v0  }
0x17d: {  	v1 =	vor.u32 $0x7200, v55  }
0x17e: {  	[tilespmem:$0x1FD30] =	vst v1;
	v60 =	vor.u32 v1, v0;
	v1 =	vld [tilespmem:$0x1FF20]  }
0x17f: {  	v10 =	vmul.f32 v37, v30;
	v15 =	vor.u32 v2, v0;
	v2 =	vld [tilespmem:$0x1FF60];
	_ =	sdelay $0x1  }
0x180: {  	[tilespmem:v5+s19+$0x0] =	vst.idx.msk $0xffff, v10;
	v5 =	vmul.f32 v37, v23  }
0x181: {  	v13 =	vmul.f32 v37, v24  }
0x182: {  	[tilespmem:v11+s19+$0x0] =	vst.idx.msk $0xffff, v5;
	v12 =	vor.u32 v1, v0;
	v1 =	vld [tilespmem:$0x1FF30]  }
0x183: {  	[tilespmem:v3+s19+$0x0] =	vst.idx.msk $0xffff, v13;
	v13 =	vor.u32 v2, v0;
	v2 =	vld [tilespmem:$0x1FF70];
	_ =	sdelay $0x2  }
0x184: {  	v11 =	vmul.f32 v37, v26  }
0x185: {  	v16 =	vor.u32 v1, v0;
	v1 =	vld [tilespmem:$0x1FF40]  }
0x186: {  	[tilespmem:v4+s19+$0x0] =	vst.idx.msk $0xffff, v11;
	v11 =	vor.u32 v2, v0;
	v2 =	vld [tilespmem:$0x1FF80];
	_ =	sdelay $0x2  }
0x187: {  	v18 =	vmul.f32 v37, v27  }
0x188: {  	v3 =	vmul.f32 v37, v28;
	v14 =	vor.u32 v1, v0  }
0x189: {  	[tilespmem:v12+s19+$0x0] =	vst.idx.msk $0xffff, v18;
	v12 =	vor.u32 v2, v0;
	v2 =	vor.u32 $0x7100, v55  }
0x18a: {  	v17 =	vmul.f32 v37, v25  }
0x18b: {  	v19 =	vmul.f32 v37, v31;
	v10 =	vmul.f32 v37, v32;
	v1 =	vor.u32 $0x7300, v55;
	[tilespmem:v16+s19+$0x0] =	vst.idx.msk $0xffff, v3  }
0x18c: {  	s24 =	simm.s32 $0x8;
	v18 =	vmul.f32 v37, v29;
	v3 =	vmovc v1;
	[tilespmem:$0x1FD40] =	vst v2;
	v16 =	vor.u32 v2, v0;
	v2 =	vmov v1  }
.LBB2_2:
0x18d: {  	[tilespmem:v14+s19+$0x0] =	vst.idx.msk $0xffff, v17  }
0x18e: {  	[tilespmem:v15+s19+$0x0] =	vst.idx.msk $0xffff, v18  }
0x18f: {  	v9 =	vmul.f32 v37, v9;
	v14 =	vor.u32 v3, v0;
	[tilespmem:v13+s19+$0x0] =	vst.idx.msk $0xffff, v19  }
0x190: {  	v8 =	vmul.f32 v37, v8;
	[tilespmem:v11+s19+$0x0] =	vst.idx.msk $0xffff, v10  }
0x191: {  	v7 =	vmul.f32 v37, v7;
	[tilespmem:v12+s19+$0x0] =	vst.idx.msk $0xffff, v9  }
0x192: {  	v6 =	vmul.f32 v37, v6;
	[tilespmem:v16+s19+$0x0] =	vst.idx.msk $0xffff, v8  }
0x193: {  	[tilespmem:v60+s19+$0x0] =	vst.idx.msk $0xffff, v7  }
0x194: {  	[tilespmem:v14+s19+$0x0] =	vst.idx.msk $0xffff, v6  }
0x195: {  	s25 =	smov.u32 s24;
	v1 =	vld [tilespmem:$0x1FD30];
	_ =	swait.ge [sflag:s18], $0x8000  }
0x196: {  	v13 =	vor.u32 s25, v39;
	[sflag:s18] =	ssyncset.done $0x0  }
0x197: {  	[sflag:s18] =	ssyncadd.s32 $0xFFFF8000  }
0x198: {  	v0 =	vmov s25;
	_ =	swait.ge [sflag:s18], $0x8000  }
0x199: {  	v0 =	vshll.u32 v0, $0x3;
	[sflag:s18] =	ssyncset.done $0x0  }
0x19a: {  	v0 =	vand.u32 $0xC00, v0;
	v10 =	vand.u32 $0x7F, v13;
	[sflag:s18] =	ssyncadd.s32 $0xFFFF8000  }
0x19b: {  	v0 =	vor.u32 v10, v0;
	v6 =	vld.idx.msk [tilespmem:v13+s3+$0x0], $0xffff  }
0x19c: {  	v60 =	vor.u32 v1, v0;
	v1 =	vld [tilespmem:$0x1FD60];
	_ =	sdelay $0x3  }
0x19d: {  	v24 =	vand.u32 $0x7F, v6  }
0x19e: {  	v7 =	vor.u32 v1, v24;
	v1 =	vld [tilespmem:$0x1FD50];
	_ =	sdelay $0x4  }
0x19f: {  	v8 =	vor.u32 v1, v24;
	v1 =	vld [tilespmem:$0x1FD70];
	_ =	sdelay $0x4  }
0x1a0: {  	v13 =	vor.u32 v1, v24;
	v1 =	vld [tilespmem:$0x1FD80];
	_ =	sdelay $0x4  }
0x1a1: {  	v17 =	vor.u32 v1, v24;
	v1 =	vld [tilespmem:$0x1FD90];
	_ =	sdelay $0x4  }
0x1a2: {  	v18 =	vor.u32 v1, v24;
	v1 =	vld [tilespmem:$0x1FDA0];
	_ =	sdelay $0x2  }
0x1a3: {  	v9 =	vor.u32 v42, v24  }
0x1a4: {  	v10 =	vld.idx.msk [tilespmem:v7+s10+$0x0], $0xffff  }
0x1a5: {  	v20 =	vor.u32 v1, v24;
	v1 =	vld [tilespmem:$0x1FDB0]  }
0x1a6: {  	v11 =	vld.idx.msk [tilespmem:v8+s10+$0x0], $0xffff  }
0x1a7: {  	v14 =	vor.u32 v44, v24  }
0x1a8: {  	v12 =	vld.idx.msk [tilespmem:v9+s10+$0x0], $0xffff  }
0x1a9: {  	v15 =	vor.u32 v45, v24;
	v13 =	vld.idx.msk [tilespmem:v13+s10+$0x0], $0xffff  }
0x1aa: {  	v27 =	vor.u32 v1, v24;
	v1 =	vld [tilespmem:$0x1FDC0]  }
0x1ab: {  	v16 =	vor.u32 v43, v24;
	v26 =	vmul.f32 v10, v10;
	v32 =	vmul.f32 v11, v11  }
0x1ac: {  	v14 =	vld.idx.msk [tilespmem:v14+s10+$0x0], $0xffff  }
0x1ad: {  	v23 =	vor.u32 v53, v24;
	v53 =	vmovc v43;
	v43 =	vmul.f32 v12, v12;
	v26 =	vadd.f32 v26, v32  }
0x1ae: {  	v15 =	vld.idx.msk [tilespmem:v15+s10+$0x0], $0xffff  }
0x1af: {  	v26 =	vadd.f32 v43, v26;
	v46 =	vmul.f32 v13, v13;
	v9 =	vor.u32 v1, v24;
	v1 =	vld [tilespmem:$0x1FFD0]  }
0x1b0: {  	v19 =	vor.u32 v49, v24;
	v16 =	vld.idx.msk [tilespmem:v16+s10+$0x0], $0xffff  }
0x1b1: {  	v30 =	vor.u32 v62, v24;
	v62 =	vmul.f32 v14, v14;
	v26 =	vadd.f32 v46, v26  }
0x1b2: {  	v17 =	vld.idx.msk [tilespmem:v17+s10+$0x0], $0xffff  }
0x1b3: {  	v43 =	vmul.f32 v15, v15;
	v26 =	vadd.f32 v62, v26;
	v18 =	vld.idx.msk [tilespmem:v18+s10+$0x0], $0xffff  }
0x1b4: {  	v8 =	vor.u32 v1, v24;
	v1 =	vld [tilespmem:$0x1FFC0]  }
0x1b5: {  	v46 =	vmul.f32 v16, v16;
	v26 =	vadd.f32 v43, v26  }
0x1b6: {  	v21 =	vor.u32 v51, v24;
	v19 =	vld.idx.msk [tilespmem:v19+s10+$0x0], $0xffff  }
0x1b7: {  	v62 =	vmul.f32 v17, v17;
	v26 =	vadd.f32 v46, v26  }
0x1b8: {  	v22 =	vor.u32 v52, v24;
	v20 =	vld.idx.msk [tilespmem:v20+s10+$0x0], $0xffff  }
0x1b9: {  	v43 =	vmul.f32 v18, v18;
	v26 =	vadd.f32 v62, v26;
	v38 =	vor.u32 v1, v24;
	v1 =	vld [tilespmem:$0x1FFB0]  }
0x1ba: {  	v28 =	vor.u32 v58, v24  }
0x1bb: {  	v29 =	vor.u32 v59, v24;
	v21 =	vld.idx.msk [tilespmem:v21+s10+$0x0], $0xffff;
	v46 =	vmul.f32 v19, v19;
	v26 =	vadd.f32 v43, v26  }
0x1bc: {  	v55 =	vmovc v39;
	v31 =	vor.u32 v61, v24;
	v6 =	vor.u32 v63, v24;
	v25 =	vor.u32 v40, v24  }
0x1bd: {  	v33 =	vor.u32 v57, v24;
	v39 =	vor.u32 v41, v24;
	v22 =	vld.idx.msk [tilespmem:v22+s10+$0x0], $0xffff;
	v26 =	vadd.f32 v46, v26  }
0x1be: {  	v36 =	vor.u32 v1, v24;
	v1 =	vmovc v61;
	v61 =	vmov v40;
	v40 =	vmul.f32 v20, v20  }
0x1bf: {  	v34 =	vor.u32 v50, v24;
	v23 =	vld.idx.msk [tilespmem:v23+s10+$0x0], $0xffff;
	v32 =	vor.u32 v56, v24;
	v46 =	vmov v63  }
0x1c0: {  	v63 =	vmovc v56;
	v56 =	vmovc v49;
	v49 =	vmov v42;
	v42 =	vmul.f32 v21, v21;
	v26 =	vadd.f32 v40, v26  }
0x1c1: {  	v35 =	vor.u32 v47, v24;
	v37 =	vor.u32 v48, v24;
	v7 =	vor.u32 v54, v24;
	v24 =	vld.idx.msk [tilespmem:v25+s10+$0x0], $0xffff  }
0x1c2: {  	s23 =	sadd.s32 $0x8, s23;
	p1 =	seq.s32 s25, $0x1F8;
	v25 =	vld.idx.msk [tilespmem:v39+s10+$0x0], $0xffff;
	v40 =	vmul.f32 v22, v22;
	v39 =	vadd.f32 v42, v26  }
0x1c3: {  	v62 =	vmov v41;
	v41 =	vld @!p1 [tilespmem:s23+$0x0]  }
0x1c4: {  	v42 =	vmul.f32 v23, v23;
	v43 =	vadd.f32 v40, v39  }
0x1c5: {  	v26 =	vld.idx.msk [tilespmem:v32+s10+$0x0], $0xffff  }
0x1c6: {  	v39 =	vmul.f32 v24, v24;
	v32 =	vadd.f32 v42, v43  }
0x1c7: {  	v27 =	vld.idx.msk [tilespmem:v27+s10+$0x0], $0xffff  }
0x1c8: {  	(v2sf) =	vpush @!p1 v41, $0x3;
	v40 =	vmul.f32 v25, v25;
	v32 =	vadd.f32 v39, v32  }
0x1c9: {  	v28 =	vld.idx.msk [tilespmem:v28+s10+$0x0], $0xffff;
	(v2sf) =	vpush @!p1 v41, $0x2  }
0x1ca: {  	(v2sf) =	vpush @!p1 v41, $0x0;
	v39 =	vmul.f32 v26, v26;
	v32 =	vadd.f32 v40, v32  }
0x1cb: {  	v29 =	vld.idx.msk [tilespmem:v29+s10+$0x0], $0xffff;
	(v2sf) =	vpush @!p1 v41, $0x4  }
0x1cc: {  	(v2sf) =	vpush @!p1 v41, $0x1;
	v40 =	vmul.f32 v27, v27;
	v32 =	vadd.f32 v39, v32  }
0x1cd: {  	v30 =	vld.idx.msk [tilespmem:v30+s10+$0x0], $0xffff  }
0x1ce: {  	(v2sf) =	vpush @!p1 v41, $0x5;
	v39 =	vmul.f32 v28, v28;
	v40 =	vadd.f32 v40, v32  }
0x1cf: {  	v31 =	vld.idx.msk [tilespmem:v31+s10+$0x0], $0xffff;
	(v2sf) =	vpush @!p1 v41, $0x6  }
0x1d0: {  	(v2sf) =	vpush @!p1 v41, $0x7;
	v41 =	vmul.f32 v29, v29;
	v32 =	vld.idx.msk [tilespmem:v6+s10+$0x0], $0xffff;
	v6 =	vadd.f32 v39, v40;
	_ =	sdelay $0x1  }
0x1d1: {  	v39 =	vmul.f32 v30, v30;
	v6 =	vadd.f32 v41, v6  }
0x1d2: {  	v33 =	vld.idx.msk [tilespmem:v33+s10+$0x0], $0xffff  }
0x1d3: {  	v40 =	vmul.f32 v31, v31;
	v6 =	vadd.f32 v39, v6  }
0x1d4: {  	v34 =	vld.idx.msk [tilespmem:v34+s10+$0x0], $0xffff  }
0x1d5: {  	v39 =	vmul.f32 v32, v32;
	v40 =	vadd.f32 v40, v6  }
0x1d6: {  	v35 =	vld.idx.msk [tilespmem:v35+s10+$0x0], $0xffff;
	s25 =	spop @!p1 (v2sf)  }
0x1d7: {  	s26 =	spop @!p1 (v2sf);
	v41 =	vmul.f32 v33, v33;
	v6 =	vld.idx.msk [tilespmem:v36+s10+$0x0], $0xffff;
	v39 =	vadd.f32 v39, v40  }
0x1d8: {  	s11 =	simm.s32 @!p1 $0x400;
	s12 =	simm.s32 @!p1 $0x7A1400;
	s28 =	spop @!p1 (v2sf);
	v36 =	vld.idx.msk [tilespmem:v7+s10+$0x0], $0xffff  }
0x1d9: {  	s13 =	simm.s32 @!p1 $0x280;
	s25 =	sand.u32 @!p1 $0xFFFFF80, s25;
	s29 =	spop @!p1 (v2sf);
	v7 =	vld.idx.msk [tilespmem:v38+s10+$0x0], $0xffff;
	v40 =	vmul.f32 v34, v34;
	v42 =	vadd.f32 v41, v39  }
0x1da: {  	s26 =	sand.u32 @!p1 $0xFFFFF80, s26;
	s28 =	sand.u32 @!p1 $0xFFFFF80, s28;
	s30 =	spop @!p1 (v2sf);
	v38 =	vld.idx.msk [tilespmem:v37+s10+$0x0], $0xffff  }
0x1db: {  	v9 =	vld.idx.msk [tilespmem:v9+s10+$0x0], $0xffff;
	s28 =	sadd.s32 @!p1 s0, s28;
	s29 =	sand.u32 @!p1 $0xFFFFF80, s29;
	s30 =	sand.u32 @!p1 $0xFFFFF80, s30;
	v39 =	vmul.f32 v35, v35;
	v37 =	vadd.f32 v40, v42  }
0x1dc: {  	v8 =	vld.idx.msk [tilespmem:v8+s10+$0x0], $0xffff;
	[tilespmem:s13], [sflag:$0x1] =	stream.strided.gather @!p1 [hbm4b:s28+s11], $0x2000, s12, s11, $0x38  }
0x1dd: {  	s31 =	spop @!p1 (v2sf);
	s30 =	sadd.s32 @!p1 s0, s30;
	s13 =	simm.s32 @!p1 $0x2280;
	v40 =	vmul.f32 v36, v36;
	v37 =	vadd.f32 v39, v37  }
0x1de: {  	[tilespmem:s13], [sflag:$0x1] =	stream.strided.gather @!p1 [hbm4b:s30+s11], $0x2000, s12, s11, $0x38;
	[tilespmem:$0x18300] =	vst v63  }
0x1df: {  	s31 =	sand.u32 @!p1 $0xFFFFF80, s31;
	s13 =	sadd.s32 @!p1 s0, s26;
	s26 =	simm.s32 @!p1 $0x4280;
	v39 =	vmul.f32 v38, v38;
	v37 =	vadd.f32 v40, v37  }
0x1e0: {  	[tilespmem:s26], [sflag:$0x1] =	stream.strided.gather @!p1 [hbm4b:s13+s11], $0x2000, s12, s11, $0x38;
	[tilespmem:$0x18300] =	vst v63  }
0x1e1: {  	s1 =	spop @!p1 (v2sf);
	s13 =	sadd.s32 @!p1 s0, s25;
	s25 =	simm.s32 @!p1 $0x6280;
	v40 =	vmul.f32 v9, v9;
	v37 =	vadd.f32 v39, v37  }
0x1e2: {  	[tilespmem:s25], [sflag:$0x1] =	stream.strided.gather @!p1 [hbm4b:s13+s11], $0x2000, s12, s11, $0x38;
	[tilespmem:$0x18300] =	vst v63  }
0x1e3: {  	s1 =	sand.u32 @!p1 $0xFFFFF80, s1;
	s13 =	sadd.s32 @!p1 s0, s29;
	s25 =	simm.s32 @!p1 $0x8280;
	v39 =	vmul.f32 v8, v8;
	v37 =	vadd.f32 v40, v37  }
0x1e4: {  	v4 =	vld [tilespmem:$0x1FFE0];
	[tilespmem:s25], [sflag:$0x1] =	stream.strided.gather @!p1 [hbm4b:s13+s11], $0x2000, s12, s11, $0x38  }
0x1e5: {  	s2 =	spop @!p1 (v2sf);
	s13 =	sadd.s32 @!p1 s0, s31;
	s25 =	simm.s32 @!p1 $0xA280;
	v40 =	vmul.f32 v7, v7;
	v37 =	vadd.f32 v39, v37  }
0x1e6: {  	[tilespmem:s25], [sflag:$0x1] =	stream.strided.gather @!p1 [hbm4b:s13+s11], $0x2000, s12, s11, $0x38;
	[tilespmem:$0x18300] =	vst v63  }
0x1e7: {  	s2 =	sand.u32 @!p1 $0xFFFFF80, s2;
	s1 =	sadd.s32 @!p1 s0, s1;
	v43 =	vmul.f32 v6, v6;
	s13 =	simm.s32 @!p1 $0xC280;
	v37 =	vadd.f32 v40, v37  }
0x1e8: {  	[tilespmem:s13], [sflag:$0x1] =	stream.strided.gather @!p1 [hbm4b:s1+s11], $0x2000, s12, s11, $0x38;
	[tilespmem:$0x18300] =	vst v63  }
0x1e9: {  	s1 =	sadd.s32 @!p1 s0, s2;
	s2 =	simm.s32 @!p1 $0xE280;
	v37 =	vadd.f32 v43, v37  }
0x1ea: {  	[tilespmem:s2], [sflag:$0x1] =	stream.strided.gather @!p1 [hbm4b:s1+s11], $0x2000, s12, s11, $0x38;
	[tilespmem:$0x18300] =	vst v63  }
0x1eb: {  	s31 =	rddreg [dreg:$0x4];
	[tilespmem:$0x18280] =	vst v37  }
0x1ec: {  	v42 =	vld.idx.msk [tilespmem:v4+s31+$0x0], $0xffff;
	_ =	sdelay $0x4  }
0x1ed: {  	v37 =	vadd.f32 v42, v37;
	_ =	sdelay $0x1  }
0x1ee: {  	v37 =	vmax.f32 v37, $1.000000020e-24  }
0x1ef: {  	v43 =	vshra.s32 v37, $0x1;
	v37 =	vmul.f32 $5.000000000e-01, v37  }
0x1f0: {  	v39 =	vsub.s32 $0x5F3759DF, v43  }
0x1f1: {  	v40 =	vmul.f32 v39, v37;
	_ =	sdelay $0x1  }
0x1f2: {  	v40 =	vmul.f32 v39, v40;
	_ =	sdelay $0x1  }
0x1f3: {  	v40 =	vsub.f32 $1.500000000e+00, v40;
	_ =	sdelay $0x1  }
0x1f4: {  	v39 =	vmul.f32 v39, v40;
	_ =	sdelay $0x1  }
0x1f5: {  	v40 =	vmul.f32 v39, v37;
	_ =	sdelay $0x1  }
0x1f6: {  	v4 =	vld [tilespmem:$0x1FFF0];
	v40 =	vmul.f32 v40, v39;
	_ =	sdelay $0x1  }
0x1f7: {  	v40 =	vsub.f32 $1.500000000e+00, v40;
	_ =	sdelay $0x1  }
0x1f8: {  	v39 =	vmul.f32 v40, v39  }
0x1f9: {  	v40 =	vor.u32 v4, v0;
	v4 =	vld [tilespmem:$0x1FDD0]  }
0x1fa: {  	v37 =	vmul.f32 v39, v37;
	_ =	sdelay $0x1  }
0x1fb: {  	v37 =	vmul.f32 v37, v39;
	_ =	sdelay $0x1  }
0x1fc: {  	v41 =	vor.u32 v4, v0;
	v4 =	vld [tilespmem:$0x1FDE0];
	v37 =	vsub.f32 $1.500000000e+00, v37;
	_ =	sdelay $0x1  }
0x1fd: {  	v37 =	vmul.f32 v37, v39;
	_ =	sdelay $0x1  }
0x1fe: {  	v11 =	vmul.f32 v37, v11  }
0x1ff: {  	v39 =	vor.u32 v4, v0;
	v4 =	vld [tilespmem:$0x1FDF0]  }
0x200: {  	[tilespmem:v40+s19+$0x0] =	vst.idx.msk $0xffff, v11;
	v40 =	vmov v61;
	v61 =	vmov v1;
	v1 =	vld [tilespmem:$0x1FE20];
	_ =	sdelay $0x2  }
0x201: {  	v43 =	vmul.f32 v37, v10;
	v10 =	vld [tilespmem:$0x1FE10]  }
0x202: {  	v42 =	vor.u32 v4, v0;
	v4 =	vld [tilespmem:$0x1FE00]  }
0x203: {  	v11 =	vmul.f32 v37, v13;
	v13 =	vor.u32 v1, v0;
	v1 =	vld [tilespmem:$0x1FE30];
	_ =	sdelay $0x3  }
0x204: {  	v5 =	vmovc v51;
	v51 =	vmovc v44;
	v44 =	vor.u32 v4, v0;
	v4 =	vmov v59;
	v59 =	vmov v52  }
0x205: {  	v52 =	vmovc v45;
	v45 =	vor.u32 v10, v0;
	v10 =	vmul.f32 v37, v38;
	v38 =	vor.u32 v1, v0;
	v1 =	vld [tilespmem:$0x1FE40];
	_ =	sdelay $0x2  }
0x206: {  	v12 =	vmul.f32 v37, v12  }
0x207: {  	[tilespmem:v41+s19+$0x0] =	vst.idx.msk $0xffff, v43  }
0x208: {  	[tilespmem:v39+s19+$0x0] =	vst.idx.msk $0xffff, v12;
	v12 =	vmul.f32 v37, v15;
	v15 =	vor.u32 v1, v0;
	v1 =	vld [tilespmem:$0x1FE50];
	_ =	sdelay $0x4  }
0x209: {  	[tilespmem:v42+s19+$0x0] =	vst.idx.msk $0xffff, v11;
	v11 =	vmul.f32 v37, v16;
	v16 =	vor.u32 v1, v0;
	v1 =	vld [tilespmem:$0x1FE60];
	_ =	sdelay $0x2  }
0x20a: {  	v14 =	vmul.f32 v37, v14;
	_ =	sdelay $0x1  }
0x20b: {  	[tilespmem:v44+s19+$0x0] =	vst.idx.msk $0xffff, v14;
	v14 =	vmul.f32 v37, v17;
	v17 =	vor.u32 v1, v0;
	v1 =	vld [tilespmem:$0x1FE70];
	_ =	sdelay $0x4  }
0x20c: {  	[tilespmem:v45+s19+$0x0] =	vst.idx.msk $0xffff, v12;
	v12 =	vmul.f32 v37, v18;
	v18 =	vor.u32 v1, v0;
	v1 =	vld [tilespmem:$0x1FE80];
	_ =	sdelay $0x4  }
0x20d: {  	[tilespmem:v13+s19+$0x0] =	vst.idx.msk $0xffff, v11;
	v13 =	vor.u32 v1, v0;
	v1 =	vld [tilespmem:$0x1FE90];
	_ =	sdelay $0x4  }
0x20e: {  	v11 =	vmul.f32 v37, v19;
	v19 =	vor.u32 v1, v0;
	v1 =	vld [tilespmem:$0x1FEA0];
	_ =	sdelay $0x3  }
0x20f: {  	[tilespmem:v38+s19+$0x0] =	vst.idx.msk $0xffff, v14  }
0x210: {  	[tilespmem:v15+s19+$0x0] =	vst.idx.msk $0xffff, v12;
	v15 =	vor.u32 v1, v0;
	v1 =	vld [tilespmem:$0x1FEB0];
	_ =	sdelay $0x4  }
0x211: {  	[tilespmem:v16+s19+$0x0] =	vst.idx.msk $0xffff, v11;
	v16 =	vor.u32 v1, v0;
	v1 =	vld [tilespmem:$0x1FEC0];
	_ =	sdelay $0x2  }
0x212: {  	v14 =	vmul.f32 v37, v20;
	_ =	sdelay $0x1  }
0x213: {  	[tilespmem:v17+s19+$0x0] =	vst.idx.msk $0xffff, v14;
	v17 =	vor.u32 v1, v0;
	v1 =	vld [tilespmem:$0x1FED0];
	_ =	sdelay $0x2  }
0x214: {  	v12 =	vmul.f32 v37, v21;
	_ =	sdelay $0x1  }
0x215: {  	[tilespmem:v18+s19+$0x0] =	vst.idx.msk $0xffff, v12;
	v18 =	vor.u32 v1, v0;
	v1 =	vld [tilespmem:$0x1FEE0];
	_ =	sdelay $0x2  }
0x216: {  	v11 =	vmul.f32 v37, v22;
	_ =	sdelay $0x1  }
0x217: {  	[tilespmem:v13+s19+$0x0] =	vst.idx.msk $0xffff, v11;
	v13 =	vor.u32 v1, v0;
	v1 =	vld [tilespmem:$0x1FEF0];
	_ =	sdelay $0x2  }
0x218: {  	v14 =	vmul.f32 v37, v23;
	_ =	sdelay $0x1  }
0x219: {  	[tilespmem:v19+s19+$0x0] =	vst.idx.msk $0xffff, v14;
	v19 =	vor.u32 v1, v0;
	v1 =	vld [tilespmem:$0x1FF00];
	_ =	sdelay $0x4  }
0x21a: {  	v20 =	vor.u32 v1, v0;
	v1 =	vld [tilespmem:$0x1FF10];
	_ =	sdelay $0x1  }
0x21b: {  	v12 =	vmul.f32 v37, v24  }
0x21c: {  	v11 =	vmul.f32 v37, v25  }
0x21d: {  	[tilespmem:v15+s19+$0x0] =	vst.idx.msk $0xffff, v12  }
0x21e: {  	[tilespmem:v16+s19+$0x0] =	vst.idx.msk $0xffff, v11;
	v16 =	vor.u32 v1, v0;
	v1 =	vld [tilespmem:$0x1FF20];
	_ =	sdelay $0x4  }
0x21f: {  	v42 =	vmovc v49;
	v49 =	vmovc v56;
	v56 =	vmov v63;
	v63 =	vmov v46;
	v46 =	vor.u32 v1, v0;
	v1 =	vld [tilespmem:$0x1FF30];
	_ =	sdelay $0x4  }
0x220: {  	v39 =	vmov v55;
	v55 =	vor.u32 v1, v0;
	v1 =	vld [tilespmem:$0x1FF40];
	_ =	sdelay $0x2  }
0x221: {  	v14 =	vmul.f32 v37, v26;
	_ =	sdelay $0x1  }
0x222: {  	[tilespmem:v17+s19+$0x0] =	vst.idx.msk $0xffff, v14;
	v14 =	vor.u32 v1, v0;
	v1 =	vld [tilespmem:$0x1FF50]  }
0x223: {  	v12 =	vmul.f32 v37, v27  }
0x224: {  	v11 =	vmul.f32 v37, v28  }
0x225: {  	v15 =	vmul.f32 v37, v29;
	[tilespmem:v18+s19+$0x0] =	vst.idx.msk $0xffff, v12  }
0x226: {  	[tilespmem:v13+s19+$0x0] =	vst.idx.msk $0xffff, v11  }
0x227: {  	[tilespmem:v19+s19+$0x0] =	vst.idx.msk $0xffff, v15;
	v15 =	vor.u32 v1, v0;
	v1 =	vld [tilespmem:$0x1FF60];
	_ =	sdelay $0x4  }
0x228: {  	v13 =	vor.u32 v1, v0;
	v1 =	vld [tilespmem:$0x1FF70];
	_ =	sdelay $0x1  }
0x229: {  	v12 =	vmul.f32 v37, v30  }
0x22a: {  	v11 =	vmul.f32 v37, v31  }
0x22b: {  	[tilespmem:v20+s19+$0x0] =	vst.idx.msk $0xffff, v12  }
0x22c: {  	[tilespmem:v16+s19+$0x0] =	vst.idx.msk $0xffff, v11;
	v11 =	vor.u32 v1, v0;
	v1 =	vld [tilespmem:$0x1FF80];
	_ =	sdelay $0x3  }
0x22d: {  	s24 =	sadd.s32 $0x8, s24  }
0x22e: {  	p0 =	sne.s32 s24, $0x200;
	v12 =	vor.u32 v1, v0;
	v1 =	vld [tilespmem:$0x1FD40]  }
.Ltmp0:
0x22f: {  	_ = 	snop;
	(pc) =	sbr.rel @p0 .LBB2_2-.Ltmp0, $4  }
0x230: {  	v3 =	vmov v2;
	v41 =	vmov v62;
	v18 =	vmul.f32 v37, v32  }
0x231: {  	v43 =	vmovc v53;
	v44 =	vmovc v51;
	v51 =	vmov v5;
	v45 =	vmov v52;
	v19 =	vmul.f32 v37, v33  }
0x232: {  	v62 =	vld [tilespmem:$0x1FF90];
	v52 =	vmov v59;
	v17 =	vmul.f32 v37, v34;
	[tilespmem:v46+s19+$0x0] =	vst.idx.msk $0xffff, v18;
	v18 =	vmul.f32 v37, v35  }
0x233: {  	v53 =	vld [tilespmem:$0x1FFA0];
	v59 =	vmov v4;
	[tilespmem:v55+s19+$0x0] =	vst.idx.msk $0xffff, v19;
	v19 =	vmul.f32 v37, v36;
	v16 =	vor.u32 v1, v0  }
0x234: {  	_ =	sdelay $0x3  }
0x235: {  	[tilespmem:v14+s19+$0x0] =	vst.idx.msk $0xffff, v17  }
0x236: {  	[tilespmem:v15+s19+$0x0] =	vst.idx.msk $0xffff, v18  }
0x237: {  	v1 =	vmul.f32 v37, v9;
	v0 =	vor.u32 v3, v0;
	[tilespmem:v13+s19+$0x0] =	vst.idx.msk $0xffff, v19  }
0x238: {  	v46 =	vmul.f32 v37, v8;
	[tilespmem:v11+s19+$0x0] =	vst.idx.msk $0xffff, v10  }
0x239: {  	v4 =	vmul.f32 v37, v7;
	[tilespmem:v12+s19+$0x0] =	vst.idx.msk $0xffff, v1  }
0x23a: {  	v55 =	vmul.f32 v37, v6;
	[tilespmem:v16+s19+$0x0] =	vst.idx.msk $0xffff, v46  }
0x23b: {  	[tilespmem:v60+s19+$0x0] =	vst.idx.msk $0xffff, v4  }
0x23c: {  	s22 =	sadd.s32 $0x1, s22;
	[tilespmem:v0+s19+$0x0] =	vst.idx.msk $0xffff, v55  }
0x23d: {  	[hbm4b:s5+s20] =	stream.strided.scatter [tilespmem:s19], [sflag:$0x2], $0x8000, s21, s20, $0x38;
	[tilespmem:$0x18300] =	vst v63  }
0x23e: {  	p0 =	sne.s32 s22, s6;
	_ =	swait.ge [sflag:s7], $0x8000  }
.Ltmp1:
0x23f: {  	v55 =	vld [tilespmem:$0x1FFF0];
	(pc) =	sbr.rel @p0 .LBB2_1-.Ltmp1, $4  }
0x240: {  	v38 =	vld [tilespmem:$0x1FFD0]  }
0x241: {  	v34 =	vld [tilespmem:$0x1FFC0]  }
0x242: {  	[sflag:s7] =	ssyncset.done $0x0;
	v32 =	vld [tilespmem:$0x1FFB0]  }
0x243: {  	v60 =	vld [tilespmem:$0x1FFE0];
	[sflag:s7] =	ssyncadd.s32 $0xFFFF8000  }
0x244: {  	_ =	sfence.sel $0x180000  }
0x245: {  	[bflag:$0x0] =	sbarrier.arrive $0xFFFF  }
0x246: {  	_ =	strace $0x90000047  }
0x247: {  	s0 =	stileid.u32;
	[bflag:$0x2] =	sbarrier.arrive $0xFFFF  }
0x248: {  	p0 =	sne.s32 s0, $0x0;
	s0 =	rddreg [dreg:$0x3]  }
0x249: {  	s0 =	sadd.s32 @!p0 $0x100000, s0  }
0x24a: {  	[sflag:s0] =	ssyncadd.tile.s32 @!p0 $0x1;
	_ =	shalt  }
.Lfunc_end2:
_tile_overlayer_lowered:
.L_overlay_start_2:
0x24b: {  	(tag) =	ssettag $0x2  }
0x24c: {  	s0 =	rddreg [dreg:$0x0];
	s2 =	stileid.u32  }
0x24d: {  	s1 =	rddreg [dreg:$0x1];
	p0 =	sne.s32 s2, $0x0  }
0x24e: {  	s3 =	rddreg [dreg:$0x2];
	[bflag:$0x3] =	sbarrier.arrive $0xFFFF;
	s2 =	simm.s32 @!p0 $0x1C02  }
0x24f: {  	[timem:s3], [sflag:s2] =	dma.local @!p0 [hbm:s0], s1  }
0x250: {  	s0 =	simm.s32 @!p0 $0x2  }
0x251: {  	_ =	swait.ge @!p0 [sflag:s0], s1  }
0x252: {  	s1 =	ssub.s32 @!p0 $0x0, s1;
	[sflag:s0] =	ssyncset.done @!p0 $0x0  }
0x253: {  	[sflag:s0] =	ssyncadd.s32 @!p0 s1  }
0x254: {  	[bflag:$0x3] =	sbarrier.arrive $0xFFFF  }
0x255: {  	_ =	shalt  }

</sc_bundles>
